<compile_context>
chip_gen: v7x
topology: tpu7x:2x2x1
jax: 0.10.2.dev20260603
libtpu: 0.0.44.dev20260713+nightly
codegen_flags: <defaults>
</compile_context>

<pallas_src>
import functools

import jax
import jax.numpy as jnp
from jax import lax
from jax.experimental import pallas as pl
from jax.experimental.pallas import tpu as pltpu
from jax.experimental.pallas import tpu_sc as plsc

NC = 2
NS = 16
NW = NC * NS
K = 80
LANES = 16
NPAD = 10240


def _sc_degree(dst3d):
    nbt = dst3d.shape[1]
    rpt = NPAD // NS
    mesh = plsc.VectorSubcoreMesh(core_axis_name="c", subcore_axis_name="s")

    @functools.partial(
        pl.kernel,
        mesh=mesh,
        compiler_params=pltpu.CompilerParams(use_tc_tiling_on_sc=False, disable_bounds_checks=True, disable_semaphore_checks=True),
        out_type=jax.ShapeDtypeStruct((NC, NPAD, LANES), jnp.float32),
        scratch_types=[
            pltpu.VMEM((nbt, K), jnp.int32),
            pltpu.VMEM((K, LANES), jnp.float32),
            pltpu.VMEM((K, LANES), jnp.float32),
            pltpu.VMEM_SHARED((NPAD, LANES), jnp.float32),
        ],
    )
    def deg_kernel(dst_hbm, out_hbm, dstb, ones_v, zero_v, acc):
        c = lax.axis_index("c")
        s = lax.axis_index("s")
        w = c * NS + s

        @pl.loop(0, K)
        def _(r):
            ones_v[pl.ds(r, 1), :] = jnp.ones((1, LANES), jnp.float32)
            zero_v[pl.ds(r, 1), :] = jnp.zeros((1, LANES), jnp.float32)

        base_row = s * rpt
        nfull = rpt // K

        @pl.loop(0, nfull)
        def _(k):
            pltpu.sync_copy(zero_v, acc.at[pl.ds(base_row + k * K, K)])

        pltpu.sync_copy(dst_hbm.at[w], dstb)
        plsc.subcore_barrier()

        @pl.loop(0, nbt)
        def _(j):
            pltpu.sync_copy(ones_v, acc.at[dstb.at[j]], add=True)

        plsc.subcore_barrier()
        pltpu.sync_copy(acc.at[pl.ds(base_row, rpt)],
                        out_hbm.at[c, pl.ds(base_row, rpt)])

    return deg_kernel(dst3d)


def _sc_segment_sum(ysplit, src3d, dst3d):
    dh = ysplit.shape[2]
    nbt = src3d.shape[1]
    rpt = NPAD // NS
    assert nbt % 2 == 0
    mesh = plsc.VectorSubcoreMesh(core_axis_name="c", subcore_axis_name="s")

    @functools.partial(
        pl.kernel,
        mesh=mesh,
        compiler_params=pltpu.CompilerParams(use_tc_tiling_on_sc=False, disable_bounds_checks=True, disable_semaphore_checks=True),
        out_type=jax.ShapeDtypeStruct((NC, NPAD, dh), jnp.float32),
        scratch_types=[
            pltpu.VMEM((nbt, K), jnp.int32),
            pltpu.VMEM((nbt, K), jnp.int32),
            pltpu.VMEM((K, dh), jnp.float32),
            pltpu.VMEM((K, dh), jnp.float32),
            pltpu.VMEM_SHARED((NPAD, dh), jnp.float32),
            pltpu.SemaphoreType.DMA,
            pltpu.SemaphoreType.DMA,
        ],
    )
    def seg_kernel(y_hbm, src_hbm, dst_hbm, out_hbm,
                   srcb, dstb, rows0, rows1, acc, sem0, sem1):
        c = lax.axis_index("c")
        s = lax.axis_index("s")

        @pl.loop(0, K)
        def _(r):
            @pl.loop(0, dh, step=LANES)
            def _(cc):
                rows0[pl.ds(r, 1), pl.ds(cc, LANES)] = (
                    jnp.zeros((1, LANES), jnp.float32))

        base_row = s * rpt
        nfull = rpt // K

        @pl.loop(0, nfull)
        def _(k):
            pltpu.sync_copy(rows0, acc.at[pl.ds(base_row + k * K, K)])

        pltpu.sync_copy(src_hbm.at[s], srcb)
        pltpu.sync_copy(dst_hbm.at[s], dstb)
        plsc.subcore_barrier()

        yc = y_hbm.at[c]

        def issue(j, rbuf, sem):
            pltpu.make_async_copy(yc.at[srcb.at[j]], rbuf, sem).start()

        def wait(j, rbuf, sem):
            pltpu.make_async_copy(yc.at[srcb.at[j]], rbuf, sem).wait()

        def scat(j, rbuf):
            pltpu.sync_copy(rbuf, acc.at[dstb.at[j]], add=True)

        issue(0, rows0, sem0)

        @pl.loop(0, nbt, step=2)
        def _(j):
            issue(j + 1, rows1, sem1)
            wait(j, rows0, sem0)
            scat(j, rows0)

            @pl.when(j + 2 < nbt)
            def _():
                issue(j + 2, rows0, sem0)

            wait(j + 1, rows1, sem1)
            scat(j + 1, rows1)

        plsc.subcore_barrier()
        pltpu.sync_copy(acc.at[pl.ds(base_row, rpt)],
                        out_hbm.at[c, pl.ds(base_row, rpt)])

    return seg_kernel(ysplit, src3d, dst3d)


def _tc_scale_matmul(degp, x, w1):
    n, din = x.shape
    h = w1.shape[1]
    dh = h // NC
    r = 2000

    def body(degp_ref, x_ref, w_ref, y_ref, dis_ref):
        dp = degp_ref[...]
        deg = dp[0, :, 0:1] + dp[1, :, 0:1] + 1.0
        dis = lax.rsqrt(deg)
        xw = jnp.dot(x_ref[...], w_ref[...],
                     preferred_element_type=jnp.float32)
        yv = dis * xw
        y_ref[0] = yv[:, :dh]
        y_ref[1] = yv[:, dh:]
        dis_ref[...] = jnp.broadcast_to(dis, (dis.shape[0], LANES))

    return pl.pallas_call(
        body,
        grid=(n // r,),
        in_specs=[
            pl.BlockSpec((NC, r, LANES), lambda i: (0, i, 0)),
            pl.BlockSpec((r, din), lambda i: (i, 0)),
            pl.BlockSpec((din, h), lambda i: (0, 0)),
        ],
        out_specs=[
            pl.BlockSpec((NC, r, dh), lambda i: (0, i, 0)),
            pl.BlockSpec((r, LANES), lambda i: (i, 0)),
        ],
        out_shape=[
            jax.ShapeDtypeStruct((NC, n, dh), jnp.float32),
            jax.ShapeDtypeStruct((NPAD, LANES), jnp.float32),
        ],
    )(degp, x, w1)


def _tc_mid(acc1, y1, dis, b1, w2):
    n = y1.shape[1]
    dh1 = y1.shape[2]
    hdim = NC * dh1
    dout = w2.shape[1]
    dh2 = dout // NC
    r = 2000

    def body(acc_ref, y_ref, dis_ref, b_ref, w_ref, y2_ref):
        a = acc_ref[...]
        yv = y_ref[...]
        tot = jnp.concatenate([a[0] + yv[0], a[1] + yv[1]], axis=1)
        dis = dis_ref[...][:, :1]
        hval = jnp.maximum(dis * tot + b_ref[...], 0.0)
        y2v = dis * jnp.dot(hval, w_ref[...],
                            preferred_element_type=jnp.float32)
        y2_ref[0] = y2v[:, :dh2]
        y2_ref[1] = y2v[:, dh2:]

    return pl.pallas_call(
        body,
        grid=(n // r,),
        in_specs=[
            pl.BlockSpec((NC, r, dh1), lambda i: (0, i, 0)),
            pl.BlockSpec((NC, r, dh1), lambda i: (0, i, 0)),
            pl.BlockSpec((r, LANES), lambda i: (i, 0)),
            pl.BlockSpec((1, hdim), lambda i: (0, 0)),
            pl.BlockSpec((hdim, dout), lambda i: (0, 0)),
        ],
        out_specs=pl.BlockSpec((NC, r, dh2), lambda i: (0, i, 0)),
        out_shape=jax.ShapeDtypeStruct((NC, n, dh2), jnp.float32),
    )(acc1, y1, dis, b1, w2)


def _sc_segment_sum_final(ysplit, src3d, dst3d, dis16, b2r):
    nc_, n, dh = ysplit.shape
    dout = NC * dh
    nbt = src3d.shape[1]
    rpt = NPAD // NS
    cnt_last = n - (NS - 1) * rpt
    assert nbt % 2 == 0 and 0 < cnt_last <= rpt and dh % LANES == 0
    mesh = plsc.VectorSubcoreMesh(core_axis_name="c", subcore_axis_name="s")

    @functools.partial(
        pl.kernel,
        mesh=mesh,
        compiler_params=pltpu.CompilerParams(use_tc_tiling_on_sc=False, disable_bounds_checks=True, disable_semaphore_checks=True),
        out_type=jax.ShapeDtypeStruct((n, dout), jnp.float32),
        scratch_types=[
            pltpu.VMEM((nbt, K), jnp.int32),
            pltpu.VMEM((nbt, K), jnp.int32),
            pltpu.VMEM((K, dh), jnp.float32),
            pltpu.VMEM((K, dh), jnp.float32),
            pltpu.VMEM((NPAD // NS, dh), jnp.float32),
            pltpu.VMEM((NPAD // NS, dh), jnp.float32),
            pltpu.VMEM((NPAD // NS, LANES), jnp.float32),
            pltpu.VMEM((1, NC * 64), jnp.float32),
            pltpu.VMEM_SHARED((NPAD, dh), jnp.float32),
            pltpu.SemaphoreType.DMA,
            pltpu.SemaphoreType.DMA,
        ],
    )
    def seg_kernel(y_hbm, src_hbm, dst_hbm, dis_hbm, b_hbm, out_hbm,
                   srcb, dstb, rows0, rows1, abuf, ybuf, disb, bbuf,
                   acc, sem0, sem1):
        c = lax.axis_index("c")
        s = lax.axis_index("s")

        @pl.loop(0, K)
        def _(r):
            @pl.loop(0, dh, step=LANES)
            def _(cc):
                rows0[pl.ds(r, 1), pl.ds(cc, LANES)] = (
                    jnp.zeros((1, LANES), jnp.float32))

        base_row = s * rpt
        nfull = rpt // K

        @pl.loop(0, nfull)
        def _(k):
            pltpu.sync_copy(rows0, acc.at[pl.ds(base_row + k * K, K)])

        pltpu.sync_copy(src_hbm.at[s], srcb)
        pltpu.sync_copy(dst_hbm.at[s], dstb)
        plsc.subcore_barrier()

        yc = y_hbm.at[c]

        def issue(j, rbuf, sem):
            pltpu.make_async_copy(yc.at[srcb.at[j]], rbuf, sem).start()

        def wait(j, rbuf, sem):
            pltpu.make_async_copy(yc.at[srcb.at[j]], rbuf, sem).wait()

        def scat(j, rbuf):
            pltpu.sync_copy(rbuf, acc.at[dstb.at[j]], add=True)

        issue(0, rows0, sem0)

        @pl.loop(0, nbt, step=2)
        def _(j):
            issue(j + 1, rows1, sem1)
            wait(j, rows0, sem0)
            scat(j, rows0)

            @pl.when(j + 2 < nbt)
            def _():
                issue(j + 2, rows0, sem0)

            wait(j + 1, rows1, sem1)
            scat(j + 1, rows1)

        plsc.subcore_barrier()

        pltpu.sync_copy(acc.at[pl.ds(base_row, rpt)], abuf)
        pltpu.sync_copy(dis_hbm.at[pl.ds(base_row, rpt)], disb)
        pltpu.sync_copy(b_hbm.at[pl.ds(0, 1), pl.ds(c * dh, dh)],
                        bbuf.at[pl.ds(0, 1), pl.ds(0, dh)])

        @pl.when(s < NS - 1)
        def _():
            pltpu.sync_copy(yc.at[pl.ds(base_row, rpt)], ybuf)

        @pl.when(s == NS - 1)
        def _():
            pltpu.sync_copy(yc.at[pl.ds(base_row, cnt_last)],
                            ybuf.at[pl.ds(0, cnt_last)])

        bvs = [bbuf[pl.ds(0, 1), pl.ds(i * LANES, LANES)]
               for i in range(dh // LANES)]

        @pl.loop(0, rpt)
        def _(r):
            drow = disb[pl.ds(r, 1), pl.ds(0, LANES)]
            for i in range(dh // LANES):
                sl = (pl.ds(r, 1), pl.ds(i * LANES, LANES))
                abuf[sl] = drow * (abuf[sl] + ybuf[sl]) + bvs[i]

        @pl.when(s < NS - 1)
        def _():
            pltpu.sync_copy(abuf,
                            out_hbm.at[pl.ds(base_row, rpt),
                                       pl.ds(c * dh, dh)])

        @pl.when(s == NS - 1)
        def _():
            pltpu.sync_copy(abuf.at[pl.ds(0, cnt_last)],
                            out_hbm.at[pl.ds(base_row, cnt_last),
                                       pl.ds(c * dh, dh)])

    return seg_kernel(ysplit, src3d, dst3d, dis16, b2r)


def kernel(x, edge, W1, b1, W2, b2):
    n, _ = x.shape
    e = edge.shape[1]
    assert n % NS == 0

    assert e % (K * NW) == 0
    edge_i32 = edge.astype(jnp.int32)
    src_seg = edge_i32[0].reshape(NS, e // (K * NS), K)
    dst_seg = edge_i32[1].reshape(NS, e // (K * NS), K)
    dst_deg = edge_i32[1].reshape(NW, e // (K * NW), K)

    degp = _sc_degree(dst_deg)
    y1, dis = _tc_scale_matmul(degp, x, W1)
    acc1 = _sc_segment_sum(y1, src_seg, dst_seg)
    y2 = _tc_mid(acc1, y1, dis, b1.reshape(1, -1), W2)
    return _sc_segment_sum_final(y2, src_seg, dst_seg, dis,
                                 b2.reshape(1, -1))

# --- scband reference (transcript-rebuilt; emitter-appended) ---
"""Pipeline reference for scband-gcn-3083786518791 (READ-ONLY COPY).

The authoritative reference and input builder live on the scoring server;
editing this copy changes nothing except your own understanding.
"""

import jax, jax.numpy as jnp
import numpy as np

N_NODES = 10000
N_EDGES = 320000
IN_DIM = 128
HIDDEN = 128
OUT_DIM = 64


def gcn_conv(x, edge_index, W, b):
    # Faithful PyG GCNConv: add self-loops, symmetric normalization, x@W, scatter-add, +bias
    N = x.shape[0]
    loop = jnp.arange(N, dtype=edge_index.dtype)
    src = jnp.concatenate([edge_index[0], loop])
    dst = jnp.concatenate([edge_index[1], loop])
    deg = jnp.zeros((N,), dtype=x.dtype).at[dst].add(1.0)
    deg_inv_sqrt = jnp.where(deg > 0, deg ** -0.5, 0.0)
    norm = deg_inv_sqrt[src] * deg_inv_sqrt[dst]
    xw = x @ W
    msg = norm[:, None] * jnp.take(xw, src, axis=0)
    out = jnp.zeros((N, W.shape[1]), dtype=x.dtype).at[dst].add(msg)
    return out + b


def setup_inputs(seed: int = 0) -> dict:
    key = jax.random.key(seed)
    k1, k2, k3, k4, k5, k6 = jax.random.split(key, 6)
    x = jax.random.normal(k1, (N_NODES, IN_DIM), dtype=jnp.float32)
    edge = jax.random.randint(k2, (2, N_EDGES), 0, N_NODES, dtype=jnp.int64)
    # Glorot init for GCNConv weights, zero bias (PyG defaults)
    s1 = (6.0 / (IN_DIM + HIDDEN)) ** 0.5
    W1 = jax.random.uniform(k3, (IN_DIM, HIDDEN), dtype=jnp.float32, minval=-s1, maxval=s1)
    b1 = jnp.zeros((HIDDEN,), dtype=jnp.float32)
    s2 = (6.0 / (HIDDEN + OUT_DIM)) ** 0.5
    W2 = jax.random.uniform(k4, (HIDDEN, OUT_DIM), dtype=jnp.float32, minval=-s2, maxval=s2)
    b2 = jnp.zeros((OUT_DIM,), dtype=jnp.float32)
    return {"x": x, "edge": edge, "W1": W1, "b1": b1, "W2": W2, "b2": b2}


def reference(x, edge, W1, b1, W2, b2):
    h = jax.nn.relu(gcn_conv(x, edge, W1, b1))
    # dropout is identity at inference (training=False)
    out = gcn_conv(h, edge, W2, b2)
    return out

if __name__ == "__main__":
    import jax
    _d = setup_inputs()
    print(jax.jit(kernel)(*tuple(_d.values())))

</pallas_src>

<mosaic_0001>
#map = affine_map<(d0, d1) -> (0, 0, 0)>
#map1 = affine_map<(d0, d1) -> (0, 0)>
module attributes {stable_mosaic.version = 14 : i64} {
  func.func @seg_kernel(%arg0: i32, %arg1: i32, %arg2: memref<2x10000x32xf32, #tpu.memory_space<hbm>>, %arg3: memref<16x250x80xi32, #tpu.memory_space<hbm>>, %arg4: memref<16x250x80xi32, #tpu.memory_space<hbm>>, %arg5: memref<10240x16xf32, #tpu.memory_space<hbm>>, %arg6: memref<1x64xf32, #tpu.memory_space<hbm>>, %arg7: memref<10000x64xf32, #tpu.memory_space<hbm>>, %arg8: memref<250x80xi32, #tpu.memory_space<vmem>>, %arg9: memref<250x80xi32, #tpu.memory_space<vmem>>, %arg10: memref<80x32xf32, #tpu.memory_space<vmem>>, %arg11: memref<80x32xf32, #tpu.memory_space<vmem>>, %arg12: memref<640x32xf32, #tpu.memory_space<vmem>>, %arg13: memref<640x32xf32, #tpu.memory_space<vmem>>, %arg14: memref<640x16xf32, #tpu.memory_space<vmem>>, %arg15: memref<1x128xf32, #tpu.memory_space<vmem>>, %arg16: memref<10240x32xf32, #tpu.memory_space<vmem_shared>>, %arg17: memref<!tpu.dma_semaphore, #tpu.memory_space<semaphore_mem>>, %arg18: memref<!tpu.dma_semaphore, #tpu.memory_space<semaphore_mem>>) attributes {dimension_semantics = [#tpu.dimension_semantics<core_parallel>, #tpu.dimension_semantics<subcore_parallel>], iteration_bounds = array<i64: 2, 16>, scalar_prefetch = 0 : i64, scratch_operands = 11 : i64, tpu.core_type = #tpu.core_type<sc_vector_subcore>, window_params = [{transform_indices = #map}, {transform_indices = #map}, {transform_indices = #map}, {transform_indices = #map1}, {transform_indices = #map1}, {transform_indices = #map1}]} {
    %scan3A = arith.constant 0 : i32
    %scan3A_0 = arith.constant 80 : i32
    %scan3A_1 = arith.addi %scan3A, %scan3A_0 : i32
    %scan3A_2 = arith.constant 1 : i32
    scf.for %scan3A_56 = %scan3A to %scan3A_1 step %scan3A_2  : i32 {
      %mul3A_57 = arith.constant 1 : i32
      %mul3A_58 = arith.muli %scan3A_56, %mul3A_57 : i32
      %add3A = arith.constant 0 : i32
      %add3A_59 = arith.addi %add3A, %mul3A_58 : i32
      %scan3A_60 = arith.constant 0 : i32
      %scan3A_61 = arith.constant 2 : i32
      %scan3A_62 = arith.addi %scan3A_60, %scan3A_61 : i32
      %scan3A_63 = arith.constant 1 : i32
      scf.for %scan3A_65 = %scan3A_60 to %scan3A_62 step %scan3A_63  : i32 {
        %mul3A_66 = arith.constant 16 : i32
        %mul3A_67 = arith.muli %scan3A_65, %mul3A_66 : i32
        %add3A_68 = arith.constant 0 : i32
        %add3A_69 = arith.addi %add3A_68, %mul3A_67 : i32
        %broadcast_in_dim3A = arith.constant 0.000000e+00 : f32
        %broadcast_in_dim3A_70 = vector.broadcast %broadcast_in_dim3A : f32 to vector<1x16xf32>
        %swap3A = arith.index_cast %add3A_59 : i32 to index
        %swap3A_71 = arith.index_cast %add3A_69 : i32 to index
        %swap3A_72 = tpu.vector_load %arg10[%swap3A, %swap3A_71] {strides = array<i32>} : memref<80x32xf32, #tpu.memory_space<vmem>>, vector<1x16xf32>,
        %swap3A_73 = vector.shape_cast %swap3A_72 : vector<1x16xf32> to vector<1x16xf32>
        %swap3A_74 = vector.shape_cast %broadcast_in_dim3A_70 : vector<1x16xf32> to vector<1x16xf32>
        tpu.vector_store %arg10[%swap3A, %swap3A_71], %swap3A_74 {strides = array<i32>} : memref<80x32xf32, #tpu.memory_space<vmem>>, vector<1x16xf32>,
      }
      %scan3A_64 = arith.constant 2 : i32
    }
    %scan3A_3 = arith.constant 80 : i32
    %mul3A = arith.constant 640 : i32
    %mul3A_4 = arith.muli %arg1, %mul3A : i32
    %scan3A_5 = arith.constant 0 : i32
    %scan3A_6 = arith.constant 8 : i32
    %scan3A_7 = arith.addi %scan3A_5, %scan3A_6 : i32
    %scan3A_8 = arith.constant 1 : i32
    scf.for %scan3A_56 = %scan3A_5 to %scan3A_7 step %scan3A_8  : i32 {
      %mul3A_57 = arith.constant 1 : i32
      %mul3A_58 = arith.muli %scan3A_56, %mul3A_57 : i32
      %add3A = arith.constant 0 : i32
      %add3A_59 = arith.addi %add3A, %mul3A_58 : i32
      %mul3A_60 = arith.constant 80 : i32
      %mul3A_61 = arith.muli %add3A_59, %mul3A_60 : i32
      %add3A_62 = arith.addi %mul3A_4, %mul3A_61 : i32
      "tpu.region"() ({
        %run_scoped3A = tpu.sem_alloc : memref<!tpu.dma_semaphore, #tpu.memory_space<semaphore_mem>>
        %dma_start3A_63 = arith.constant 0 : i32
        %dma_start3A_64 = tpu.memref_slice %arg16[%add3A_62, %dma_start3A_63] : memref<10240x32xf32, #tpu.memory_space<vmem_shared>> -> memref<80x32xf32, #tpu.memory_space<vmem_shared>>
        %dma_start3A_65 = arith.constant 0 : i32
        %dma_start3A_66 = tpu.memref_slice %arg16[%add3A_62, %dma_start3A_65] : memref<10240x32xf32, #tpu.memory_space<vmem_shared>> -> memref<80x32xf32, #tpu.memory_space<vmem_shared>>
        tpu.enqueue_dma source(%arg10 : memref<80x32xf32, #tpu.memory_space<vmem>>) target(%dma_start3A_66 : memref<80x32xf32, #tpu.memory_space<vmem_shared>>) target_semaphore(%run_scoped3A : memref<!tpu.dma_semaphore, #tpu.memory_space<semaphore_mem>>)
        %dma_wait3A = arith.constant 0 : i32
        %dma_wait3A_67 = tpu.memref_slice %arg16[%add3A_62, %dma_wait3A] : memref<10240x32xf32, #tpu.memory_space<vmem_shared>> -> memref<80x32xf32, #tpu.memory_space<vmem_shared>>
        %dma_wait3A_68 = arith.constant 0 : i32
        %dma_wait3A_69 = tpu.memref_slice %arg16[%add3A_62, %dma_wait3A_68] : memref<10240x32xf32, #tpu.memory_space<vmem_shared>> -> memref<80x32xf32, #tpu.memory_space<vmem_shared>>
        tpu.wait_dma2 semaphore(%run_scoped3A : memref<!tpu.dma_semaphore, #tpu.memory_space<semaphore_mem>>) src(%arg10 : memref<80x32xf32, #tpu.memory_space<vmem>>) dst(%dma_wait3A_69 : memref<80x32xf32, #tpu.memory_space<vmem_shared>>)
        tpu.yield
      }) : () -> ()
    }
    %scan3A_9 = arith.constant 8 : i32
    "tpu.region"() ({
      %run_scoped3A = tpu.sem_alloc : memref<!tpu.dma_semaphore, #tpu.memory_space<semaphore_mem>>
      %dma_start3A_56 = arith.constant 0 : i32
      %dma_start3A_57 = arith.constant 0 : i32
      %dma_start3A_58 = tpu.memref_slice %arg3[%arg1, %dma_start3A_56, %dma_start3A_57] : memref<16x250x80xi32, #tpu.memory_space<hbm>> -> memref<1x250x80xi32, #tpu.memory_space<hbm>>
      %dma_start3A_59 = tpu.memref_squeeze %dma_start3A_58 : memref<1x250x80xi32, #tpu.memory_space<hbm>> -> memref<250x80xi32, #tpu.memory_space<hbm>>
      %dma_start3A_60 = arith.constant 0 : i32
      %dma_start3A_61 = arith.constant 0 : i32
      %dma_start3A_62 = tpu.memref_slice %arg3[%arg1, %dma_start3A_60, %dma_start3A_61] : memref<16x250x80xi32, #tpu.memory_space<hbm>> -> memref<1x250x80xi32, #tpu.memory_space<hbm>>
      %dma_start3A_63 = tpu.memref_squeeze %dma_start3A_62 : memref<1x250x80xi32, #tpu.memory_space<hbm>> -> memref<250x80xi32, #tpu.memory_space<hbm>>
      tpu.enqueue_dma source(%dma_start3A_63 : memref<250x80xi32, #tpu.memory_space<hbm>>) target(%arg8 : memref<250x80xi32, #tpu.memory_space<vmem>>) target_semaphore(%run_scoped3A : memref<!tpu.dma_semaphore, #tpu.memory_space<semaphore_mem>>)
      %dma_wait3A = arith.constant 0 : i32
      %dma_wait3A_64 = arith.constant 0 : i32
      %dma_wait3A_65 = tpu.memref_slice %arg3[%arg1, %dma_wait3A, %dma_wait3A_64] : memref<16x250x80xi32, #tpu.memory_space<hbm>> -> memref<1x250x80xi32, #tpu.memory_space<hbm>>
      %dma_wait3A_66 = tpu.memref_squeeze %dma_wait3A_65 : memref<1x250x80xi32, #tpu.memory_space<hbm>> -> memref<250x80xi32, #tpu.memory_space<hbm>>
      %dma_wait3A_67 = arith.constant 0 : i32
      %dma_wait3A_68 = arith.constant 0 : i32
      %dma_wait3A_69 = tpu.memref_slice %arg3[%arg1, %dma_wait3A_67, %dma_wait3A_68] : memref<16x250x80xi32, #tpu.memory_space<hbm>> -> memref<1x250x80xi32, #tpu.memory_space<hbm>>
      %dma_wait3A_70 = tpu.memref_squeeze %dma_wait3A_69 : memref<1x250x80xi32, #tpu.memory_space<hbm>> -> memref<250x80xi32, #tpu.memory_space<hbm>>
      tpu.wait_dma2 semaphore(%run_scoped3A : memref<!tpu.dma_semaphore, #tpu.memory_space<semaphore_mem>>) src(%dma_wait3A_70 : memref<250x80xi32, #tpu.memory_space<hbm>>) dst(%arg8 : memref<250x80xi32, #tpu.memory_space<vmem>>)
      tpu.yield
    }) : () -> ()
    "tpu.region"() ({
      %run_scoped3A = tpu.sem_alloc : memref<!tpu.dma_semaphore, #tpu.memory_space<semaphore_mem>>
      %dma_start3A_56 = arith.constant 0 : i32
      %dma_start3A_57 = arith.constant 0 : i32
      %dma_start3A_58 = tpu.memref_slice %arg4[%arg1, %dma_start3A_56, %dma_start3A_57] : memref<16x250x80xi32, #tpu.memory_space<hbm>> -> memref<1x250x80xi32, #tpu.memory_space<hbm>>
      %dma_start3A_59 = tpu.memref_squeeze %dma_start3A_58 : memref<1x250x80xi32, #tpu.memory_space<hbm>> -> memref<250x80xi32, #tpu.memory_space<hbm>>
      %dma_start3A_60 = arith.constant 0 : i32
      %dma_start3A_61 = arith.constant 0 : i32
      %dma_start3A_62 = tpu.memref_slice %arg4[%arg1, %dma_start3A_60, %dma_start3A_61] : memref<16x250x80xi32, #tpu.memory_space<hbm>> -> memref<1x250x80xi32, #tpu.memory_space<hbm>>
      %dma_start3A_63 = tpu.memref_squeeze %dma_start3A_62 : memref<1x250x80xi32, #tpu.memory_space<hbm>> -> memref<250x80xi32, #tpu.memory_space<hbm>>
      tpu.enqueue_dma source(%dma_start3A_63 : memref<250x80xi32, #tpu.memory_space<hbm>>) target(%arg9 : memref<250x80xi32, #tpu.memory_space<vmem>>) target_semaphore(%run_scoped3A : memref<!tpu.dma_semaphore, #tpu.memory_space<semaphore_mem>>)
      %dma_wait3A = arith.constant 0 : i32
      %dma_wait3A_64 = arith.constant 0 : i32
      %dma_wait3A_65 = tpu.memref_slice %arg4[%arg1, %dma_wait3A, %dma_wait3A_64] : memref<16x250x80xi32, #tpu.memory_space<hbm>> -> memref<1x250x80xi32, #tpu.memory_space<hbm>>
      %dma_wait3A_66 = tpu.memref_squeeze %dma_wait3A_65 : memref<1x250x80xi32, #tpu.memory_space<hbm>> -> memref<250x80xi32, #tpu.memory_space<hbm>>
      %dma_wait3A_67 = arith.constant 0 : i32
      %dma_wait3A_68 = arith.constant 0 : i32
      %dma_wait3A_69 = tpu.memref_slice %arg4[%arg1, %dma_wait3A_67, %dma_wait3A_68] : memref<16x250x80xi32, #tpu.memory_space<hbm>> -> memref<1x250x80xi32, #tpu.memory_space<hbm>>
      %dma_wait3A_70 = tpu.memref_squeeze %dma_wait3A_69 : memref<1x250x80xi32, #tpu.memory_space<hbm>> -> memref<250x80xi32, #tpu.memory_space<hbm>>
      tpu.wait_dma2 semaphore(%run_scoped3A : memref<!tpu.dma_semaphore, #tpu.memory_space<semaphore_mem>>) src(%dma_wait3A_70 : memref<250x80xi32, #tpu.memory_space<hbm>>) dst(%arg9 : memref<250x80xi32, #tpu.memory_space<vmem>>)
      tpu.yield
    }) : () -> ()
    %barrier3A = arith.constant 0 : index
    tpu.barrier barrier_id(%barrier3A)
    %dma_start3A = arith.constant 0 : i32
    %dma_start3A_10 = arith.constant 0 : i32
    %dma_start3A_11 = tpu.memref_slice %arg8[%dma_start3A, %dma_start3A_10] : memref<250x80xi32, #tpu.memory_space<vmem>> -> memref<1x80xi32, #tpu.memory_space<vmem>>
    %dma_start3A_12 = tpu.memref_squeeze %dma_start3A_11 : memref<1x80xi32, #tpu.memory_space<vmem>> -> memref<80xi32, #tpu.memory_space<vmem>>
    %dma_start3A_13 = arith.constant 0 : i32
    %dma_start3A_14 = arith.constant 0 : i32
    %dma_start3A_15 = tpu.memref_slice %arg2[%arg0, %dma_start3A_13, %dma_start3A_14] : memref<2x10000x32xf32, #tpu.memory_space<hbm>> -> memref<1x10000x32xf32, #tpu.memory_space<hbm>>
    %dma_start3A_16 = tpu.memref_squeeze %dma_start3A_15 : memref<1x10000x32xf32, #tpu.memory_space<hbm>> -> memref<10000x32xf32, #tpu.memory_space<hbm>>
    %dma_start3A_17 = arith.constant 0 : i32
    %dma_start3A_18 = arith.constant 0 : i32
    %dma_start3A_19 = tpu.memref_slice %dma_start3A_16[%dma_start3A_17, %dma_start3A_18] : memref<10000x32xf32, #tpu.memory_space<hbm>> -> memref<10000x32xf32, #tpu.memory_space<hbm>>
    tpu.enqueue_indirect_dma source(%dma_start3A_19 : memref<10000x32xf32, #tpu.memory_space<hbm>>) target(%arg10 : memref<80x32xf32, #tpu.memory_space<vmem>>) offsets(%dma_start3A_12 : memref<80xi32, #tpu.memory_space<vmem>>) semaphore(%arg17 : memref<!tpu.dma_semaphore, #tpu.memory_space<semaphore_mem>>)
    %scan3A_20 = arith.constant 0 : i32
    %scan3A_21 = arith.constant 125 : i32
    %scan3A_22 = arith.addi %scan3A_20, %scan3A_21 : i32
    %scan3A_23 = arith.constant 1 : i32
    scf.for %scan3A_56 = %scan3A_20 to %scan3A_22 step %scan3A_23  : i32 {
      %mul3A_57 = arith.constant 2 : i32
      %mul3A_58 = arith.muli %scan3A_56, %mul3A_57 : i32
      %add3A = arith.constant 0 : i32
      %add3A_59 = arith.addi %add3A, %mul3A_58 : i32
      %add3A_60 = arith.constant 1 : i32
      %add3A_61 = arith.addi %add3A_59, %add3A_60 : i32
      %dma_start3A_62 = arith.constant 0 : i32
      %dma_start3A_63 = tpu.memref_slice %arg8[%add3A_61, %dma_start3A_62] : memref<250x80xi32, #tpu.memory_space<vmem>> -> memref<1x80xi32, #tpu.memory_space<vmem>>
      %dma_start3A_64 = tpu.memref_squeeze %dma_start3A_63 : memref<1x80xi32, #tpu.memory_space<vmem>> -> memref<80xi32, #tpu.memory_space<vmem>>
      %dma_start3A_65 = arith.constant 0 : i32
      %dma_start3A_66 = arith.constant 0 : i32
      %dma_start3A_67 = tpu.memref_slice %arg2[%arg0, %dma_start3A_65, %dma_start3A_66] : memref<2x10000x32xf32, #tpu.memory_space<hbm>> -> memref<1x10000x32xf32, #tpu.memory_space<hbm>>
      %dma_start3A_68 = tpu.memref_squeeze %dma_start3A_67 : memref<1x10000x32xf32, #tpu.memory_space<hbm>> -> memref<10000x32xf32, #tpu.memory_space<hbm>>
      %dma_start3A_69 = arith.constant 0 : i32
      %dma_start3A_70 = arith.constant 0 : i32
      %dma_start3A_71 = tpu.memref_slice %dma_start3A_68[%dma_start3A_69, %dma_start3A_70] : memref<10000x32xf32, #tpu.memory_space<hbm>> -> memref<10000x32xf32, #tpu.memory_space<hbm>>
      tpu.enqueue_indirect_dma source(%dma_start3A_71 : memref<10000x32xf32, #tpu.memory_space<hbm>>) target(%arg11 : memref<80x32xf32, #tpu.memory_space<vmem>>) offsets(%dma_start3A_64 : memref<80xi32, #tpu.memory_space<vmem>>) semaphore(%arg18 : memref<!tpu.dma_semaphore, #tpu.memory_space<semaphore_mem>>)
      %dma_wait3A = arith.constant 0 : i32
      %dma_wait3A_72 = tpu.memref_slice %arg8[%add3A_59, %dma_wait3A] : memref<250x80xi32, #tpu.memory_space<vmem>> -> memref<1x80xi32, #tpu.memory_space<vmem>>
      %dma_wait3A_73 = tpu.memref_squeeze %dma_wait3A_72 : memref<1x80xi32, #tpu.memory_space<vmem>> -> memref<80xi32, #tpu.memory_space<vmem>>
      %dma_wait3A_74 = arith.constant 0 : i32
      %dma_wait3A_75 = arith.constant 0 : i32
      %dma_wait3A_76 = tpu.memref_slice %arg2[%arg0, %dma_wait3A_74, %dma_wait3A_75] : memref<2x10000x32xf32, #tpu.memory_space<hbm>> -> memref<1x10000x32xf32, #tpu.memory_space<hbm>>
      %dma_wait3A_77 = tpu.memref_squeeze %dma_wait3A_76 : memref<1x10000x32xf32, #tpu.memory_space<hbm>> -> memref<10000x32xf32, #tpu.memory_space<hbm>>
      %dma_wait3A_78 = arith.constant 0 : i32
      %dma_wait3A_79 = arith.constant 0 : i32
      %dma_wait3A_80 = tpu.memref_slice %dma_wait3A_77[%dma_wait3A_78, %dma_wait3A_79] : memref<10000x32xf32, #tpu.memory_space<hbm>> -> memref<10000x32xf32, #tpu.memory_space<hbm>>
      tpu.wait_indirect_dma semaphore(%arg17 : memref<!tpu.dma_semaphore, #tpu.memory_space<semaphore_mem>>) src(%dma_wait3A_80 : memref<10000x32xf32, #tpu.memory_space<hbm>>) dst(%arg10 : memref<80x32xf32, #tpu.memory_space<vmem>>)
      "tpu.region"() ({
        %run_scoped3A = tpu.sem_alloc : memref<!tpu.dma_semaphore, #tpu.memory_space<semaphore_mem>>
        %dma_start3A_102 = arith.constant 0 : i32
        %dma_start3A_103 = tpu.memref_slice %arg9[%add3A_59, %dma_start3A_102] : memref<250x80xi32, #tpu.memory_space<vmem>> -> memref<1x80xi32, #tpu.memory_space<vmem>>
        %dma_start3A_104 = tpu.memref_squeeze %dma_start3A_103 : memref<1x80xi32, #tpu.memory_space<vmem>> -> memref<80xi32, #tpu.memory_space<vmem>>
        %dma_start3A_105 = arith.constant 0 : i32
        %dma_start3A_106 = arith.constant 0 : i32
        %dma_start3A_107 = tpu.memref_slice %arg16[%dma_start3A_105, %dma_start3A_106] : memref<10240x32xf32, #tpu.memory_space<vmem_shared>> -> memref<10240x32xf32, #tpu.memory_space<vmem_shared>>
        tpu.enqueue_indirect_dma source(%arg10 : memref<80x32xf32, #tpu.memory_space<vmem>>) target(%dma_start3A_107 : memref<10240x32xf32, #tpu.memory_space<vmem_shared>>) offsets(%dma_start3A_104 : memref<80xi32, #tpu.memory_space<vmem>>) semaphore(%run_scoped3A : memref<!tpu.dma_semaphore, #tpu.memory_space<semaphore_mem>>) {add = true}
        %dma_wait3A_108 = arith.constant 0 : i32
        %dma_wait3A_109 = tpu.memref_slice %arg9[%add3A_59, %dma_wait3A_108] : memref<250x80xi32, #tpu.memory_space<vmem>> -> memref<1x80xi32, #tpu.memory_space<vmem>>
        %dma_wait3A_110 = tpu.memref_squeeze %dma_wait3A_109 : memref<1x80xi32, #tpu.memory_space<vmem>> -> memref<80xi32, #tpu.memory_space<vmem>>
        %dma_wait3A_111 = arith.constant 0 : i32
        %dma_wait3A_112 = arith.constant 0 : i32
        %dma_wait3A_113 = tpu.memref_slice %arg16[%dma_wait3A_111, %dma_wait3A_112] : memref<10240x32xf32, #tpu.memory_space<vmem_shared>> -> memref<10240x32xf32, #tpu.memory_space<vmem_shared>>
        tpu.wait_indirect_dma semaphore(%run_scoped3A : memref<!tpu.dma_semaphore, #tpu.memory_space<semaphore_mem>>) src(%arg10 : memref<80x32xf32, #tpu.memory_space<vmem>>) dst(%dma_wait3A_113 : memref<10240x32xf32, #tpu.memory_space<vmem_shared>>)
        tpu.yield
      }) : () -> ()
      %add3A_81 = arith.constant 2 : i32
      %add3A_82 = arith.addi %add3A_59, %add3A_81 : i32
      %lt3A_83 = arith.constant 250 : i32
      %lt3A_84 = arith.cmpi slt, %add3A_82, %lt3A_83 : i32
      %convert_element_type3A_85 = arith.extui %lt3A_84 : i1 to i32
      %cond3A_86 = arith.constant 0 : i32
      %cond3A_87 = arith.cmpi ne, %convert_element_type3A_85, %cond3A_86 : i32
      scf.if %cond3A_87 {
        %add3A_102 = arith.constant 2 : i32
        %add3A_103 = arith.addi %add3A_59, %add3A_102 : i32
        %dma_start3A_104 = arith.constant 0 : i32
        %dma_start3A_105 = tpu.memref_slice %arg8[%add3A_103, %dma_start3A_104] : memref<250x80xi32, #tpu.memory_space<vmem>> -> memref<1x80xi32, #tpu.memory_space<vmem>>
        %dma_start3A_106 = tpu.memref_squeeze %dma_start3A_105 : memref<1x80xi32, #tpu.memory_space<vmem>> -> memref<80xi32, #tpu.memory_space<vmem>>
        %dma_start3A_107 = arith.constant 0 : i32
        %dma_start3A_108 = arith.constant 0 : i32
        %dma_start3A_109 = tpu.memref_slice %arg2[%arg0, %dma_start3A_107, %dma_start3A_108] : memref<2x10000x32xf32, #tpu.memory_space<hbm>> -> memref<1x10000x32xf32, #tpu.memory_space<hbm>>
        %dma_start3A_110 = tpu.memref_squeeze %dma_start3A_109 : memref<1x10000x32xf32, #tpu.memory_space<hbm>> -> memref<10000x32xf32, #tpu.memory_space<hbm>>
        %dma_start3A_111 = arith.constant 0 : i32
        %dma_start3A_112 = arith.constant 0 : i32
        %dma_start3A_113 = tpu.memref_slice %dma_start3A_110[%dma_start3A_111, %dma_start3A_112] : memref<10000x32xf32, #tpu.memory_space<hbm>> -> memref<10000x32xf32, #tpu.memory_space<hbm>>
        tpu.enqueue_indirect_dma source(%dma_start3A_113 : memref<10000x32xf32, #tpu.memory_space<hbm>>) target(%arg10 : memref<80x32xf32, #tpu.memory_space<vmem>>) offsets(%dma_start3A_106 : memref<80xi32, #tpu.memory_space<vmem>>) semaphore(%arg17 : memref<!tpu.dma_semaphore, #tpu.memory_space<semaphore_mem>>)
      } else {
      }
      %add3A_88 = arith.constant 1 : i32
      %add3A_89 = arith.addi %add3A_59, %add3A_88 : i32
      %dma_wait3A_90 = arith.constant 0 : i32
      %dma_wait3A_91 = tpu.memref_slice %arg8[%add3A_89, %dma_wait3A_90] : memref<250x80xi32, #tpu.memory_space<vmem>> -> memref<1x80xi32, #tpu.memory_space<vmem>>
      %dma_wait3A_92 = tpu.memref_squeeze %dma_wait3A_91 : memref<1x80xi32, #tpu.memory_space<vmem>> -> memref<80xi32, #tpu.memory_space<vmem>>
      %dma_wait3A_93 = arith.constant 0 : i32
      %dma_wait3A_94 = arith.constant 0 : i32
      %dma_wait3A_95 = tpu.memref_slice %arg2[%arg0, %dma_wait3A_93, %dma_wait3A_94] : memref<2x10000x32xf32, #tpu.memory_space<hbm>> -> memref<1x10000x32xf32, #tpu.memory_space<hbm>>
      %dma_wait3A_96 = tpu.memref_squeeze %dma_wait3A_95 : memref<1x10000x32xf32, #tpu.memory_space<hbm>> -> memref<10000x32xf32, #tpu.memory_space<hbm>>
      %dma_wait3A_97 = arith.constant 0 : i32
      %dma_wait3A_98 = arith.constant 0 : i32
      %dma_wait3A_99 = tpu.memref_slice %dma_wait3A_96[%dma_wait3A_97, %dma_wait3A_98] : memref<10000x32xf32, #tpu.memory_space<hbm>> -> memref<10000x32xf32, #tpu.memory_space<hbm>>
      tpu.wait_indirect_dma semaphore(%arg18 : memref<!tpu.dma_semaphore, #tpu.memory_space<semaphore_mem>>) src(%dma_wait3A_99 : memref<10000x32xf32, #tpu.memory_space<hbm>>) dst(%arg11 : memref<80x32xf32, #tpu.memory_space<vmem>>)
      %add3A_100 = arith.constant 1 : i32
      %add3A_101 = arith.addi %add3A_59, %add3A_100 : i32
      "tpu.region"() ({
        %run_scoped3A = tpu.sem_alloc : memref<!tpu.dma_semaphore, #tpu.memory_space<semaphore_mem>>
        %dma_start3A_102 = arith.constant 0 : i32
        %dma_start3A_103 = tpu.memref_slice %arg9[%add3A_101, %dma_start3A_102] : memref<250x80xi32, #tpu.memory_space<vmem>> -> memref<1x80xi32, #tpu.memory_space<vmem>>
        %dma_start3A_104 = tpu.memref_squeeze %dma_start3A_103 : memref<1x80xi32, #tpu.memory_space<vmem>> -> memref<80xi32, #tpu.memory_space<vmem>>
        %dma_start3A_105 = arith.constant 0 : i32
        %dma_start3A_106 = arith.constant 0 : i32
        %dma_start3A_107 = tpu.memref_slice %arg16[%dma_start3A_105, %dma_start3A_106] : memref<10240x32xf32, #tpu.memory_space<vmem_shared>> -> memref<10240x32xf32, #tpu.memory_space<vmem_shared>>
        tpu.enqueue_indirect_dma source(%arg11 : memref<80x32xf32, #tpu.memory_space<vmem>>) target(%dma_start3A_107 : memref<10240x32xf32, #tpu.memory_space<vmem_shared>>) offsets(%dma_start3A_104 : memref<80xi32, #tpu.memory_space<vmem>>) semaphore(%run_scoped3A : memref<!tpu.dma_semaphore, #tpu.memory_space<semaphore_mem>>) {add = true}
        %dma_wait3A_108 = arith.constant 0 : i32
        %dma_wait3A_109 = tpu.memref_slice %arg9[%add3A_101, %dma_wait3A_108] : memref<250x80xi32, #tpu.memory_space<vmem>> -> memref<1x80xi32, #tpu.memory_space<vmem>>
        %dma_wait3A_110 = tpu.memref_squeeze %dma_wait3A_109 : memref<1x80xi32, #tpu.memory_space<vmem>> -> memref<80xi32, #tpu.memory_space<vmem>>
        %dma_wait3A_111 = arith.constant 0 : i32
        %dma_wait3A_112 = arith.constant 0 : i32
        %dma_wait3A_113 = tpu.memref_slice %arg16[%dma_wait3A_111, %dma_wait3A_112] : memref<10240x32xf32, #tpu.memory_space<vmem_shared>> -> memref<10240x32xf32, #tpu.memory_space<vmem_shared>>
        tpu.wait_indirect_dma semaphore(%run_scoped3A : memref<!tpu.dma_semaphore, #tpu.memory_space<semaphore_mem>>) src(%arg11 : memref<80x32xf32, #tpu.memory_space<vmem>>) dst(%dma_wait3A_113 : memref<10240x32xf32, #tpu.memory_space<vmem_shared>>)
        tpu.yield
      }) : () -> ()
    }
    %scan3A_24 = arith.constant 125 : i32
    %barrier3A_25 = arith.constant 0 : index
    tpu.barrier barrier_id(%barrier3A_25)
    "tpu.region"() ({
      %run_scoped3A = tpu.sem_alloc : memref<!tpu.dma_semaphore, #tpu.memory_space<semaphore_mem>>
      %dma_start3A_56 = arith.constant 0 : i32
      %dma_start3A_57 = tpu.memref_slice %arg16[%mul3A_4, %dma_start3A_56] : memref<10240x32xf32, #tpu.memory_space<vmem_shared>> -> memref<640x32xf32, #tpu.memory_space<vmem_shared>>
      %dma_start3A_58 = arith.constant 0 : i32
      %dma_start3A_59 = tpu.memref_slice %arg16[%mul3A_4, %dma_start3A_58] : memref<10240x32xf32, #tpu.memory_space<vmem_shared>> -> memref<640x32xf32, #tpu.memory_space<vmem_shared>>
      tpu.enqueue_dma source(%dma_start3A_59 : memref<640x32xf32, #tpu.memory_space<vmem_shared>>) target(%arg12 : memref<640x32xf32, #tpu.memory_space<vmem>>) target_semaphore(%run_scoped3A : memref<!tpu.dma_semaphore, #tpu.memory_space<semaphore_mem>>)
      %dma_wait3A = arith.constant 0 : i32
      %dma_wait3A_60 = tpu.memref_slice %arg16[%mul3A_4, %dma_wait3A] : memref<10240x32xf32, #tpu.memory_space<vmem_shared>> -> memref<640x32xf32, #tpu.memory_space<vmem_shared>>
      %dma_wait3A_61 = arith.constant 0 : i32
      %dma_wait3A_62 = tpu.memref_slice %arg16[%mul3A_4, %dma_wait3A_61] : memref<10240x32xf32, #tpu.memory_space<vmem_shared>> -> memref<640x32xf32, #tpu.memory_space<vmem_shared>>
      tpu.wait_dma2 semaphore(%run_scoped3A : memref<!tpu.dma_semaphore, #tpu.memory_space<semaphore_mem>>) src(%dma_wait3A_62 : memref<640x32xf32, #tpu.memory_space<vmem_shared>>) dst(%arg12 : memref<640x32xf32, #tpu.memory_space<vmem>>)
      tpu.yield
    }) : () -> ()
    "tpu.region"() ({
      %run_scoped3A = tpu.sem_alloc : memref<!tpu.dma_semaphore, #tpu.memory_space<semaphore_mem>>
      %dma_start3A_56 = arith.constant 0 : i32
      %dma_start3A_57 = tpu.memref_slice %arg5[%mul3A_4, %dma_start3A_56] : memref<10240x16xf32, #tpu.memory_space<hbm>> -> memref<640x16xf32, #tpu.memory_space<hbm>>
      %dma_start3A_58 = arith.constant 0 : i32
      %dma_start3A_59 = tpu.memref_slice %arg5[%mul3A_4, %dma_start3A_58] : memref<10240x16xf32, #tpu.memory_space<hbm>> -> memref<640x16xf32, #tpu.memory_space<hbm>>
      tpu.enqueue_dma source(%dma_start3A_59 : memref<640x16xf32, #tpu.memory_space<hbm>>) target(%arg14 : memref<640x16xf32, #tpu.memory_space<vmem>>) target_semaphore(%run_scoped3A : memref<!tpu.dma_semaphore, #tpu.memory_space<semaphore_mem>>)
      %dma_wait3A = arith.constant 0 : i32
      %dma_wait3A_60 = tpu.memref_slice %arg5[%mul3A_4, %dma_wait3A] : memref<10240x16xf32, #tpu.memory_space<hbm>> -> memref<640x16xf32, #tpu.memory_space<hbm>>
      %dma_wait3A_61 = arith.constant 0 : i32
      %dma_wait3A_62 = tpu.memref_slice %arg5[%mul3A_4, %dma_wait3A_61] : memref<10240x16xf32, #tpu.memory_space<hbm>> -> memref<640x16xf32, #tpu.memory_space<hbm>>
      tpu.wait_dma2 semaphore(%run_scoped3A : memref<!tpu.dma_semaphore, #tpu.memory_space<semaphore_mem>>) src(%dma_wait3A_62 : memref<640x16xf32, #tpu.memory_space<hbm>>) dst(%arg14 : memref<640x16xf32, #tpu.memory_space<vmem>>)
      tpu.yield
    }) : () -> ()
    %mul3A_26 = arith.constant 32 : i32
    %mul3A_27 = arith.muli %arg0, %mul3A_26 : i32
    "tpu.region"() ({
      %run_scoped3A = tpu.sem_alloc : memref<!tpu.dma_semaphore, #tpu.memory_space<semaphore_mem>>
      %dma_start3A_56 = arith.constant 0 : i32
      %dma_start3A_57 = arith.constant 0 : i32
      %dma_start3A_58 = tpu.memref_slice %arg15[%dma_start3A_56, %dma_start3A_57] : memref<1x128xf32, #tpu.memory_space<vmem>> -> memref<1x32xf32, #tpu.memory_space<vmem>>
      %dma_start3A_59 = arith.constant 0 : i32
      %dma_start3A_60 = tpu.memref_slice %arg6[%dma_start3A_59, %mul3A_27] : memref<1x64xf32, #tpu.memory_space<hbm>> -> memref<1x32xf32, #tpu.memory_space<hbm>>
      %dma_start3A_61 = arith.constant 0 : i32
      %dma_start3A_62 = arith.constant 0 : i32
      %dma_start3A_63 = tpu.memref_slice %arg15[%dma_start3A_61, %dma_start3A_62] : memref<1x128xf32, #tpu.memory_space<vmem>> -> memref<1x32xf32, #tpu.memory_space<vmem>>
      %dma_start3A_64 = arith.constant 0 : i32
      %dma_start3A_65 = tpu.memref_slice %arg6[%dma_start3A_64, %mul3A_27] : memref<1x64xf32, #tpu.memory_space<hbm>> -> memref<1x32xf32, #tpu.memory_space<hbm>>
      tpu.enqueue_dma source(%dma_start3A_65 : memref<1x32xf32, #tpu.memory_space<hbm>>) target(%dma_start3A_63 : memref<1x32xf32, #tpu.memory_space<vmem>>) target_semaphore(%run_scoped3A : memref<!tpu.dma_semaphore, #tpu.memory_space<semaphore_mem>>)
      %dma_wait3A = arith.constant 0 : i32
      %dma_wait3A_66 = arith.constant 0 : i32
      %dma_wait3A_67 = tpu.memref_slice %arg15[%dma_wait3A, %dma_wait3A_66] : memref<1x128xf32, #tpu.memory_space<vmem>> -> memref<1x32xf32, #tpu.memory_space<vmem>>
      %dma_wait3A_68 = arith.constant 0 : i32
      %dma_wait3A_69 = tpu.memref_slice %arg6[%dma_wait3A_68, %mul3A_27] : memref<1x64xf32, #tpu.memory_space<hbm>> -> memref<1x32xf32, #tpu.memory_space<hbm>>
      %dma_wait3A_70 = arith.constant 0 : i32
      %dma_wait3A_71 = arith.constant 0 : i32
      %dma_wait3A_72 = tpu.memref_slice %arg15[%dma_wait3A_70, %dma_wait3A_71] : memref<1x128xf32, #tpu.memory_space<vmem>> -> memref<1x32xf32, #tpu.memory_space<vmem>>
      %dma_wait3A_73 = arith.constant 0 : i32
      %dma_wait3A_74 = tpu.memref_slice %arg6[%dma_wait3A_73, %mul3A_27] : memref<1x64xf32, #tpu.memory_space<hbm>> -> memref<1x32xf32, #tpu.memory_space<hbm>>
      tpu.wait_dma2 semaphore(%run_scoped3A : memref<!tpu.dma_semaphore, #tpu.memory_space<semaphore_mem>>) src(%dma_wait3A_74 : memref<1x32xf32, #tpu.memory_space<hbm>>) dst(%dma_wait3A_72 : memref<1x32xf32, #tpu.memory_space<vmem>>)
      tpu.yield
    }) : () -> ()
    %lt3A = arith.constant 15 : i32
    %lt3A_28 = arith.cmpi slt, %arg1, %lt3A : i32
    %convert_element_type3A = arith.extui %lt3A_28 : i1 to i32
    %cond3A = arith.constant 0 : i32
    %cond3A_29 = arith.cmpi ne, %convert_element_type3A, %cond3A : i32
    scf.if %cond3A_29 {
      "tpu.region"() ({
        %run_scoped3A = tpu.sem_alloc : memref<!tpu.dma_semaphore, #tpu.memory_space<semaphore_mem>>
        %dma_start3A_56 = arith.constant 0 : i32
        %dma_start3A_57 = arith.constant 0 : i32
        %dma_start3A_58 = tpu.memref_slice %arg2[%arg0, %dma_start3A_56, %dma_start3A_57] : memref<2x10000x32xf32, #tpu.memory_space<hbm>> -> memref<1x10000x32xf32, #tpu.memory_space<hbm>>
        %dma_start3A_59 = tpu.memref_squeeze %dma_start3A_58 : memref<1x10000x32xf32, #tpu.memory_space<hbm>> -> memref<10000x32xf32, #tpu.memory_space<hbm>>
        %dma_start3A_60 = arith.constant 0 : i32
        %dma_start3A_61 = tpu.memref_slice %dma_start3A_59[%mul3A_4, %dma_start3A_60] : memref<10000x32xf32, #tpu.memory_space<hbm>> -> memref<640x32xf32, #tpu.memory_space<hbm>>
        %dma_start3A_62 = arith.constant 0 : i32
        %dma_start3A_63 = arith.constant 0 : i32
        %dma_start3A_64 = tpu.memref_slice %arg2[%arg0, %dma_start3A_62, %dma_start3A_63] : memref<2x10000x32xf32, #tpu.memory_space<hbm>> -> memref<1x10000x32xf32, #tpu.memory_space<hbm>>
        %dma_start3A_65 = tpu.memref_squeeze %dma_start3A_64 : memref<1x10000x32xf32, #tpu.memory_space<hbm>> -> memref<10000x32xf32, #tpu.memory_space<hbm>>
        %dma_start3A_66 = arith.constant 0 : i32
        %dma_start3A_67 = tpu.memref_slice %dma_start3A_65[%mul3A_4, %dma_start3A_66] : memref<10000x32xf32, #tpu.memory_space<hbm>> -> memref<640x32xf32, #tpu.memory_space<hbm>>
        tpu.enqueue_dma source(%dma_start3A_67 : memref<640x32xf32, #tpu.memory_space<hbm>>) target(%arg13 : memref<640x32xf32, #tpu.memory_space<vmem>>) target_semaphore(%run_scoped3A : memref<!tpu.dma_semaphore, #tpu.memory_space<semaphore_mem>>)
        %dma_wait3A = arith.constant 0 : i32
        %dma_wait3A_68 = arith.constant 0 : i32
        %dma_wait3A_69 = tpu.memref_slice %arg2[%arg0, %dma_wait3A, %dma_wait3A_68] : memref<2x10000x32xf32, #tpu.memory_space<hbm>> -> memref<1x10000x32xf32, #tpu.memory_space<hbm>>
        %dma_wait3A_70 = tpu.memref_squeeze %dma_wait3A_69 : memref<1x10000x32xf32, #tpu.memory_space<hbm>> -> memref<10000x32xf32, #tpu.memory_space<hbm>>
        %dma_wait3A_71 = arith.constant 0 : i32
        %dma_wait3A_72 = tpu.memref_slice %dma_wait3A_70[%mul3A_4, %dma_wait3A_71] : memref<10000x32xf32, #tpu.memory_space<hbm>> -> memref<640x32xf32, #tpu.memory_space<hbm>>
        %dma_wait3A_73 = arith.constant 0 : i32
        %dma_wait3A_74 = arith.constant 0 : i32
        %dma_wait3A_75 = tpu.memref_slice %arg2[%arg0, %dma_wait3A_73, %dma_wait3A_74] : memref<2x10000x32xf32, #tpu.memory_space<hbm>> -> memref<1x10000x32xf32, #tpu.memory_space<hbm>>
        %dma_wait3A_76 = tpu.memref_squeeze %dma_wait3A_75 : memref<1x10000x32xf32, #tpu.memory_space<hbm>> -> memref<10000x32xf32, #tpu.memory_space<hbm>>
        %dma_wait3A_77 = arith.constant 0 : i32
        %dma_wait3A_78 = tpu.memref_slice %dma_wait3A_76[%mul3A_4, %dma_wait3A_77] : memref<10000x32xf32, #tpu.memory_space<hbm>> -> memref<640x32xf32, #tpu.memory_space<hbm>>
        tpu.wait_dma2 semaphore(%run_scoped3A : memref<!tpu.dma_semaphore, #tpu.memory_space<semaphore_mem>>) src(%dma_wait3A_78 : memref<640x32xf32, #tpu.memory_space<hbm>>) dst(%arg13 : memref<640x32xf32, #tpu.memory_space<vmem>>)
        tpu.yield
      }) : () -> ()
    } else {
    }
    %eq3A = arith.constant 15 : i32
    %eq3A_30 = arith.cmpi eq, %arg1, %eq3A : i32
    %convert_element_type3A_31 = arith.extui %eq3A_30 : i1 to i32
    %cond3A_32 = arith.constant 0 : i32
    %cond3A_33 = arith.cmpi ne, %convert_element_type3A_31, %cond3A_32 : i32
    scf.if %cond3A_33 {
      "tpu.region"() ({
        %run_scoped3A = tpu.sem_alloc : memref<!tpu.dma_semaphore, #tpu.memory_space<semaphore_mem>>
        %dma_start3A_56 = arith.constant 0 : i32
        %dma_start3A_57 = arith.constant 0 : i32
        %dma_start3A_58 = tpu.memref_slice %arg13[%dma_start3A_56, %dma_start3A_57] : memref<640x32xf32, #tpu.memory_space<vmem>> -> memref<400x32xf32, #tpu.memory_space<vmem>>
        %dma_start3A_59 = arith.constant 0 : i32
        %dma_start3A_60 = arith.constant 0 : i32
        %dma_start3A_61 = tpu.memref_slice %arg2[%arg0, %dma_start3A_59, %dma_start3A_60] : memref<2x10000x32xf32, #tpu.memory_space<hbm>> -> memref<1x10000x32xf32, #tpu.memory_space<hbm>>
        %dma_start3A_62 = tpu.memref_squeeze %dma_start3A_61 : memref<1x10000x32xf32, #tpu.memory_space<hbm>> -> memref<10000x32xf32, #tpu.memory_space<hbm>>
        %dma_start3A_63 = arith.constant 0 : i32
        %dma_start3A_64 = tpu.memref_slice %dma_start3A_62[%mul3A_4, %dma_start3A_63] : memref<10000x32xf32, #tpu.memory_space<hbm>> -> memref<400x32xf32, #tpu.memory_space<hbm>>
        %dma_start3A_65 = arith.constant 0 : i32
        %dma_start3A_66 = arith.constant 0 : i32
        %dma_start3A_67 = tpu.memref_slice %arg13[%dma_start3A_65, %dma_start3A_66] : memref<640x32xf32, #tpu.memory_space<vmem>> -> memref<400x32xf32, #tpu.memory_space<vmem>>
        %dma_start3A_68 = arith.constant 0 : i32
        %dma_start3A_69 = arith.constant 0 : i32
        %dma_start3A_70 = tpu.memref_slice %arg2[%arg0, %dma_start3A_68, %dma_start3A_69] : memref<2x10000x32xf32, #tpu.memory_space<hbm>> -> memref<1x10000x32xf32, #tpu.memory_space<hbm>>
        %dma_start3A_71 = tpu.memref_squeeze %dma_start3A_70 : memref<1x10000x32xf32, #tpu.memory_space<hbm>> -> memref<10000x32xf32, #tpu.memory_space<hbm>>
        %dma_start3A_72 = arith.constant 0 : i32
        %dma_start3A_73 = tpu.memref_slice %dma_start3A_71[%mul3A_4, %dma_start3A_72] : memref<10000x32xf32, #tpu.memory_space<hbm>> -> memref<400x32xf32, #tpu.memory_space<hbm>>
        tpu.enqueue_dma source(%dma_start3A_73 : memref<400x32xf32, #tpu.memory_space<hbm>>) target(%dma_start3A_67 : memref<400x32xf32, #tpu.memory_space<vmem>>) target_semaphore(%run_scoped3A : memref<!tpu.dma_semaphore, #tpu.memory_space<semaphore_mem>>)
        %dma_wait3A = arith.constant 0 : i32
        %dma_wait3A_74 = arith.constant 0 : i32
        %dma_wait3A_75 = tpu.memref_slice %arg13[%dma_wait3A, %dma_wait3A_74] : memref<640x32xf32, #tpu.memory_space<vmem>> -> memref<400x32xf32, #tpu.memory_space<vmem>>
        %dma_wait3A_76 = arith.constant 0 : i32
        %dma_wait3A_77 = arith.constant 0 : i32
        %dma_wait3A_78 = tpu.memref_slice %arg2[%arg0, %dma_wait3A_76, %dma_wait3A_77] : memref<2x10000x32xf32, #tpu.memory_space<hbm>> -> memref<1x10000x32xf32, #tpu.memory_space<hbm>>
        %dma_wait3A_79 = tpu.memref_squeeze %dma_wait3A_78 : memref<1x10000x32xf32, #tpu.memory_space<hbm>> -> memref<10000x32xf32, #tpu.memory_space<hbm>>
        %dma_wait3A_80 = arith.constant 0 : i32
        %dma_wait3A_81 = tpu.memref_slice %dma_wait3A_79[%mul3A_4, %dma_wait3A_80] : memref<10000x32xf32, #tpu.memory_space<hbm>> -> memref<400x32xf32, #tpu.memory_space<hbm>>
        %dma_wait3A_82 = arith.constant 0 : i32
        %dma_wait3A_83 = arith.constant 0 : i32
        %dma_wait3A_84 = tpu.memref_slice %arg13[%dma_wait3A_82, %dma_wait3A_83] : memref<640x32xf32, #tpu.memory_space<vmem>> -> memref<400x32xf32, #tpu.memory_space<vmem>>
        %dma_wait3A_85 = arith.constant 0 : i32
        %dma_wait3A_86 = arith.constant 0 : i32
        %dma_wait3A_87 = tpu.memref_slice %arg2[%arg0, %dma_wait3A_85, %dma_wait3A_86] : memref<2x10000x32xf32, #tpu.memory_space<hbm>> -> memref<1x10000x32xf32, #tpu.memory_space<hbm>>
        %dma_wait3A_88 = tpu.memref_squeeze %dma_wait3A_87 : memref<1x10000x32xf32, #tpu.memory_space<hbm>> -> memref<10000x32xf32, #tpu.memory_space<hbm>>
        %dma_wait3A_89 = arith.constant 0 : i32
        %dma_wait3A_90 = tpu.memref_slice %dma_wait3A_88[%mul3A_4, %dma_wait3A_89] : memref<10000x32xf32, #tpu.memory_space<hbm>> -> memref<400x32xf32, #tpu.memory_space<hbm>>
        tpu.wait_dma2 semaphore(%run_scoped3A : memref<!tpu.dma_semaphore, #tpu.memory_space<semaphore_mem>>) src(%dma_wait3A_90 : memref<400x32xf32, #tpu.memory_space<hbm>>) dst(%dma_wait3A_84 : memref<400x32xf32, #tpu.memory_space<vmem>>)
        tpu.yield
      }) : () -> ()
    } else {
    }
    %get3A = arith.constant 0 : index
    %get3A_34 = arith.constant 0 : index
    %get3A_35 = tpu.vector_load %arg15[%get3A, %get3A_34] {strides = array<i32>} : memref<1x128xf32, #tpu.memory_space<vmem>>, vector<1x16xf32>,
    %get3A_36 = vector.shape_cast %get3A_35 : vector<1x16xf32> to vector<1x16xf32>
    %get3A_37 = arith.constant 0 : index
    %get3A_38 = arith.constant 16 : index
    %get3A_39 = tpu.vector_load %arg15[%get3A_37, %get3A_38] {strides = array<i32>} : memref<1x128xf32, #tpu.memory_space<vmem>>, vector<1x16xf32>,
    %get3A_40 = vector.shape_cast %get3A_39 : vector<1x16xf32> to vector<1x16xf32>
    %scan3A_41 = arith.constant 0 : i32
    %scan3A_42 = arith.constant 640 : i32
    %scan3A_43 = arith.addi %scan3A_41, %scan3A_42 : i32
    %scan3A_44 = arith.constant 1 : i32
    scf.for %scan3A_56 = %scan3A_41 to %scan3A_43 step %scan3A_44  : i32 {
      %mul3A_57 = arith.constant 1 : i32
      %mul3A_58 = arith.muli %scan3A_56, %mul3A_57 : i32
      %add3A = arith.constant 0 : i32
      %add3A_59 = arith.addi %add3A, %mul3A_58 : i32
      %get3A_60 = arith.index_cast %add3A_59 : i32 to index
      %get3A_61 = arith.constant 0 : index
      %get3A_62 = tpu.vector_load %arg14[%get3A_60, %get3A_61] {strides = array<i32>} : memref<640x16xf32, #tpu.memory_space<vmem>>, vector<1x16xf32>,
      %get3A_63 = vector.shape_cast %get3A_62 : vector<1x16xf32> to vector<1x16xf32>
      %get3A_64 = arith.index_cast %add3A_59 : i32 to index
      %get3A_65 = arith.constant 0 : index
      %get3A_66 = tpu.vector_load %arg12[%get3A_64, %get3A_65] {strides = array<i32>} : memref<640x32xf32, #tpu.memory_space<vmem>>, vector<1x16xf32>,
      %get3A_67 = vector.shape_cast %get3A_66 : vector<1x16xf32> to vector<1x16xf32>
      %get3A_68 = arith.index_cast %add3A_59 : i32 to index
      %get3A_69 = arith.constant 0 : index
      %get3A_70 = tpu.vector_load %arg13[%get3A_68, %get3A_69] {strides = array<i32>} : memref<640x32xf32, #tpu.memory_space<vmem>>, vector<1x16xf32>,
      %get3A_71 = vector.shape_cast %get3A_70 : vector<1x16xf32> to vector<1x16xf32>
      %add3A_72 = arith.addf %get3A_67, %get3A_71 : vector<1x16xf32>
      %mul3A_73 = arith.mulf %get3A_63, %add3A_72 : vector<1x16xf32>
      %add3A_74 = arith.addf %mul3A_73, %get3A_36 : vector<1x16xf32>
      %swap3A = arith.index_cast %add3A_59 : i32 to index
      %swap3A_75 = arith.constant 0 : index
      %swap3A_76 = tpu.vector_load %arg12[%swap3A, %swap3A_75] {strides = array<i32>} : memref<640x32xf32, #tpu.memory_space<vmem>>, vector<1x16xf32>,
      %swap3A_77 = vector.shape_cast %swap3A_76 : vector<1x16xf32> to vector<1x16xf32>
      %swap3A_78 = vector.shape_cast %add3A_74 : vector<1x16xf32> to vector<1x16xf32>
      tpu.vector_store %arg12[%swap3A, %swap3A_75], %swap3A_78 {strides = array<i32>} : memref<640x32xf32, #tpu.memory_space<vmem>>, vector<1x16xf32>,
      %get3A_79 = arith.index_cast %add3A_59 : i32 to index
      %get3A_80 = arith.constant 16 : index
      %get3A_81 = tpu.vector_load %arg12[%get3A_79, %get3A_80] {strides = array<i32>} : memref<640x32xf32, #tpu.memory_space<vmem>>, vector<1x16xf32>,
      %get3A_82 = vector.shape_cast %get3A_81 : vector<1x16xf32> to vector<1x16xf32>
      %get3A_83 = arith.index_cast %add3A_59 : i32 to index
      %get3A_84 = arith.constant 16 : index
      %get3A_85 = tpu.vector_load %arg13[%get3A_83, %get3A_84] {strides = array<i32>} : memref<640x32xf32, #tpu.memory_space<vmem>>, vector<1x16xf32>,
      %get3A_86 = vector.shape_cast %get3A_85 : vector<1x16xf32> to vector<1x16xf32>
      %add3A_87 = arith.addf %get3A_82, %get3A_86 : vector<1x16xf32>
      %mul3A_88 = arith.mulf %get3A_63, %add3A_87 : vector<1x16xf32>
      %add3A_89 = arith.addf %mul3A_88, %get3A_40 : vector<1x16xf32>
      %swap3A_90 = arith.index_cast %add3A_59 : i32 to index
      %swap3A_91 = arith.constant 16 : index
      %swap3A_92 = tpu.vector_load %arg12[%swap3A_90, %swap3A_91] {strides = array<i32>} : memref<640x32xf32, #tpu.memory_space<vmem>>, vector<1x16xf32>,
      %swap3A_93 = vector.shape_cast %swap3A_92 : vector<1x16xf32> to vector<1x16xf32>
      %swap3A_94 = vector.shape_cast %add3A_89 : vector<1x16xf32> to vector<1x16xf32>
      tpu.vector_store %arg12[%swap3A_90, %swap3A_91], %swap3A_94 {strides = array<i32>} : memref<640x32xf32, #tpu.memory_space<vmem>>, vector<1x16xf32>,
    }
    %scan3A_45 = arith.constant 640 : i32
    %lt3A_46 = arith.constant 15 : i32
    %lt3A_47 = arith.cmpi slt, %arg1, %lt3A_46 : i32
    %convert_element_type3A_48 = arith.extui %lt3A_47 : i1 to i32
    %cond3A_49 = arith.constant 0 : i32
    %cond3A_50 = arith.cmpi ne, %convert_element_type3A_48, %cond3A_49 : i32
    scf.if %cond3A_50 {
      %mul3A_56 = arith.constant 32 : i32
      %mul3A_57 = arith.muli %arg0, %mul3A_56 : i32
      "tpu.region"() ({
        %run_scoped3A = tpu.sem_alloc : memref<!tpu.dma_semaphore, #tpu.memory_space<semaphore_mem>>
        %dma_start3A_58 = tpu.memref_slice %arg7[%mul3A_4, %mul3A_57] : memref<10000x64xf32, #tpu.memory_space<hbm>> -> memref<640x32xf32, #tpu.memory_space<hbm>>
        %dma_start3A_59 = tpu.memref_slice %arg7[%mul3A_4, %mul3A_57] : memref<10000x64xf32, #tpu.memory_space<hbm>> -> memref<640x32xf32, #tpu.memory_space<hbm>>
        tpu.enqueue_dma source(%arg12 : memref<640x32xf32, #tpu.memory_space<vmem>>) target(%dma_start3A_59 : memref<640x32xf32, #tpu.memory_space<hbm>>) target_semaphore(%run_scoped3A : memref<!tpu.dma_semaphore, #tpu.memory_space<semaphore_mem>>)
        %dma_wait3A = tpu.memref_slice %arg7[%mul3A_4, %mul3A_57] : memref<10000x64xf32, #tpu.memory_space<hbm>> -> memref<640x32xf32, #tpu.memory_space<hbm>>
        %dma_wait3A_60 = tpu.memref_slice %arg7[%mul3A_4, %mul3A_57] : memref<10000x64xf32, #tpu.memory_space<hbm>> -> memref<640x32xf32, #tpu.memory_space<hbm>>
        tpu.wait_dma2 semaphore(%run_scoped3A : memref<!tpu.dma_semaphore, #tpu.memory_space<semaphore_mem>>) src(%arg12 : memref<640x32xf32, #tpu.memory_space<vmem>>) dst(%dma_wait3A_60 : memref<640x32xf32, #tpu.memory_space<hbm>>)
        tpu.yield
      }) : () -> ()
    } else {
    }
    %eq3A_51 = arith.constant 15 : i32
    %eq3A_52 = arith.cmpi eq, %arg1, %eq3A_51 : i32
    %convert_element_type3A_53 = arith.extui %eq3A_52 : i1 to i32
    %cond3A_54 = arith.constant 0 : i32
    %cond3A_55 = arith.cmpi ne, %convert_element_type3A_53, %cond3A_54 : i32
    scf.if %cond3A_55 {
      %mul3A_56 = arith.constant 32 : i32
      %mul3A_57 = arith.muli %arg0, %mul3A_56 : i32
      "tpu.region"() ({
        %run_scoped3A = tpu.sem_alloc : memref<!tpu.dma_semaphore, #tpu.memory_space<semaphore_mem>>
        %dma_start3A_58 = arith.constant 0 : i32
        %dma_start3A_59 = arith.constant 0 : i32
        %dma_start3A_60 = tpu.memref_slice %arg12[%dma_start3A_58, %dma_start3A_59] : memref<640x32xf32, #tpu.memory_space<vmem>> -> memref<400x32xf32, #tpu.memory_space<vmem>>
        %dma_start3A_61 = tpu.memref_slice %arg7[%mul3A_4, %mul3A_57] : memref<10000x64xf32, #tpu.memory_space<hbm>> -> memref<400x32xf32, #tpu.memory_space<hbm>>
        %dma_start3A_62 = tpu.memref_slice %arg7[%mul3A_4, %mul3A_57] : memref<10000x64xf32, #tpu.memory_space<hbm>> -> memref<400x32xf32, #tpu.memory_space<hbm>>
        %dma_start3A_63 = arith.constant 0 : i32
        %dma_start3A_64 = arith.constant 0 : i32
        %dma_start3A_65 = tpu.memref_slice %arg12[%dma_start3A_63, %dma_start3A_64] : memref<640x32xf32, #tpu.memory_space<vmem>> -> memref<400x32xf32, #tpu.memory_space<vmem>>
        tpu.enqueue_dma source(%dma_start3A_65 : memref<400x32xf32, #tpu.memory_space<vmem>>) target(%dma_start3A_62 : memref<400x32xf32, #tpu.memory_space<hbm>>) target_semaphore(%run_scoped3A : memref<!tpu.dma_semaphore, #tpu.memory_space<semaphore_mem>>)
        %dma_wait3A = arith.constant 0 : i32
        %dma_wait3A_66 = arith.constant 0 : i32
        %dma_wait3A_67 = tpu.memref_slice %arg12[%dma_wait3A, %dma_wait3A_66] : memref<640x32xf32, #tpu.memory_space<vmem>> -> memref<400x32xf32, #tpu.memory_space<vmem>>
        %dma_wait3A_68 = tpu.memref_slice %arg7[%mul3A_4, %mul3A_57] : memref<10000x64xf32, #tpu.memory_space<hbm>> -> memref<400x32xf32, #tpu.memory_space<hbm>>
        %dma_wait3A_69 = tpu.memref_slice %arg7[%mul3A_4, %mul3A_57] : memref<10000x64xf32, #tpu.memory_space<hbm>> -> memref<400x32xf32, #tpu.memory_space<hbm>>
        %dma_wait3A_70 = arith.constant 0 : i32
        %dma_wait3A_71 = arith.constant 0 : i32
        %dma_wait3A_72 = tpu.memref_slice %arg12[%dma_wait3A_70, %dma_wait3A_71] : memref<640x32xf32, #tpu.memory_space<vmem>> -> memref<400x32xf32, #tpu.memory_space<vmem>>
        tpu.wait_dma2 semaphore(%run_scoped3A : memref<!tpu.dma_semaphore, #tpu.memory_space<semaphore_mem>>) src(%dma_wait3A_72 : memref<400x32xf32, #tpu.memory_space<vmem>>) dst(%dma_wait3A_69 : memref<400x32xf32, #tpu.memory_space<hbm>>)
        tpu.yield
      }) : () -> ()
    } else {
    }
    return
  }
}

#map = affine_map<(d0, d1) -> (0, 0, 0)>
module attributes {stable_mosaic.version = 14 : i64} {
  func.func @deg_kernel(%arg0: i32, %arg1: i32, %arg2: memref<32x125x80xi32, #tpu.memory_space<hbm>>, %arg3: memref<2x10240x16xf32, #tpu.memory_space<hbm>>, %arg4: memref<125x80xi32, #tpu.memory_space<vmem>>, %arg5: memref<80x16xf32, #tpu.memory_space<vmem>>, %arg6: memref<80x16xf32, #tpu.memory_space<vmem>>, %arg7: memref<10240x16xf32, #tpu.memory_space<vmem_shared>>) attributes {dimension_semantics = [#tpu.dimension_semantics<core_parallel>, #tpu.dimension_semantics<subcore_parallel>], iteration_bounds = array<i64: 2, 16>, scalar_prefetch = 0 : i64, scratch_operands = 4 : i64, tpu.core_type = #tpu.core_type<sc_vector_subcore>, window_params = [{transform_indices = #map}, {transform_indices = #map}]} {
    %mul3A = arith.constant 16 : i32
    %mul3A_0 = arith.muli %arg0, %mul3A : i32
    %add3A = arith.addi %mul3A_0, %arg1 : i32
    %scan3A = arith.constant 0 : i32
    %scan3A_1 = arith.constant 80 : i32
    %scan3A_2 = arith.addi %scan3A, %scan3A_1 : i32
    %scan3A_3 = arith.constant 1 : i32
    scf.for %scan3A_18 = %scan3A to %scan3A_2 step %scan3A_3  : i32 {
      %mul3A_19 = arith.constant 1 : i32
      %mul3A_20 = arith.muli %scan3A_18, %mul3A_19 : i32
      %add3A_21 = arith.constant 0 : i32
      %add3A_22 = arith.addi %add3A_21, %mul3A_20 : i32
      %broadcast_in_dim3A = arith.constant 1.000000e+00 : f32
      %broadcast_in_dim3A_23 = vector.broadcast %broadcast_in_dim3A : f32 to vector<1x16xf32>
      %swap3A = arith.index_cast %add3A_22 : i32 to index
      %swap3A_24 = arith.constant 0 : index
      %swap3A_25 = tpu.vector_load %arg5[%swap3A, %swap3A_24] {strides = array<i32>} : memref<80x16xf32, #tpu.memory_space<vmem>>, vector<1x16xf32>,
      %swap3A_26 = vector.shape_cast %swap3A_25 : vector<1x16xf32> to vector<1x16xf32>
      %swap3A_27 = vector.shape_cast %broadcast_in_dim3A_23 : vector<1x16xf32> to vector<1x16xf32>
      tpu.vector_store %arg5[%swap3A, %swap3A_24], %swap3A_27 {strides = array<i32>} : memref<80x16xf32, #tpu.memory_space<vmem>>, vector<1x16xf32>,
      %broadcast_in_dim3A_28 = arith.constant 0.000000e+00 : f32
      %broadcast_in_dim3A_29 = vector.broadcast %broadcast_in_dim3A_28 : f32 to vector<1x16xf32>
      %swap3A_30 = arith.index_cast %add3A_22 : i32 to index
      %swap3A_31 = arith.constant 0 : index
      %swap3A_32 = tpu.vector_load %arg6[%swap3A_30, %swap3A_31] {strides = array<i32>} : memref<80x16xf32, #tpu.memory_space<vmem>>, vector<1x16xf32>,
      %swap3A_33 = vector.shape_cast %swap3A_32 : vector<1x16xf32> to vector<1x16xf32>
      %swap3A_34 = vector.shape_cast %broadcast_in_dim3A_29 : vector<1x16xf32> to vector<1x16xf32>
      tpu.vector_store %arg6[%swap3A_30, %swap3A_31], %swap3A_34 {strides = array<i32>} : memref<80x16xf32, #tpu.memory_space<vmem>>, vector<1x16xf32>,
    }
    %scan3A_4 = arith.constant 80 : i32
    %mul3A_5 = arith.constant 640 : i32
    %mul3A_6 = arith.muli %arg1, %mul3A_5 : i32
    %scan3A_7 = arith.constant 0 : i32
    %scan3A_8 = arith.constant 8 : i32
    %scan3A_9 = arith.addi %scan3A_7, %scan3A_8 : i32
    %scan3A_10 = arith.constant 1 : i32
    scf.for %scan3A_18 = %scan3A_7 to %scan3A_9 step %scan3A_10  : i32 {
      %mul3A_19 = arith.constant 1 : i32
      %mul3A_20 = arith.muli %scan3A_18, %mul3A_19 : i32
      %add3A_21 = arith.constant 0 : i32
      %add3A_22 = arith.addi %add3A_21, %mul3A_20 : i32
      %mul3A_23 = arith.constant 80 : i32
      %mul3A_24 = arith.muli %add3A_22, %mul3A_23 : i32
      %add3A_25 = arith.addi %mul3A_6, %mul3A_24 : i32
      "tpu.region"() ({
        %run_scoped3A = tpu.sem_alloc : memref<!tpu.dma_semaphore, #tpu.memory_space<semaphore_mem>>
        %dma_start3A = arith.constant 0 : i32
        %dma_start3A_26 = tpu.memref_slice %arg7[%add3A_25, %dma_start3A] : memref<10240x16xf32, #tpu.memory_space<vmem_shared>> -> memref<80x16xf32, #tpu.memory_space<vmem_shared>>
        %dma_start3A_27 = arith.constant 0 : i32
        %dma_start3A_28 = tpu.memref_slice %arg7[%add3A_25, %dma_start3A_27] : memref<10240x16xf32, #tpu.memory_space<vmem_shared>> -> memref<80x16xf32, #tpu.memory_space<vmem_shared>>
        tpu.enqueue_dma source(%arg6 : memref<80x16xf32, #tpu.memory_space<vmem>>) target(%dma_start3A_28 : memref<80x16xf32, #tpu.memory_space<vmem_shared>>) target_semaphore(%run_scoped3A : memref<!tpu.dma_semaphore, #tpu.memory_space<semaphore_mem>>)
        %dma_wait3A = arith.constant 0 : i32
        %dma_wait3A_29 = tpu.memref_slice %arg7[%add3A_25, %dma_wait3A] : memref<10240x16xf32, #tpu.memory_space<vmem_shared>> -> memref<80x16xf32, #tpu.memory_space<vmem_shared>>
        %dma_wait3A_30 = arith.constant 0 : i32
        %dma_wait3A_31 = tpu.memref_slice %arg7[%add3A_25, %dma_wait3A_30] : memref<10240x16xf32, #tpu.memory_space<vmem_shared>> -> memref<80x16xf32, #tpu.memory_space<vmem_shared>>
        tpu.wait_dma2 semaphore(%run_scoped3A : memref<!tpu.dma_semaphore, #tpu.memory_space<semaphore_mem>>) src(%arg6 : memref<80x16xf32, #tpu.memory_space<vmem>>) dst(%dma_wait3A_31 : memref<80x16xf32, #tpu.memory_space<vmem_shared>>)
        tpu.yield
      }) : () -> ()
    }
    %scan3A_11 = arith.constant 8 : i32
    "tpu.region"() ({
      %run_scoped3A = tpu.sem_alloc : memref<!tpu.dma_semaphore, #tpu.memory_space<semaphore_mem>>
      %dma_start3A = arith.constant 0 : i32
      %dma_start3A_18 = arith.constant 0 : i32
      %dma_start3A_19 = tpu.memref_slice %arg2[%add3A, %dma_start3A, %dma_start3A_18] : memref<32x125x80xi32, #tpu.memory_space<hbm>> -> memref<1x125x80xi32, #tpu.memory_space<hbm>>
      %dma_start3A_20 = tpu.memref_squeeze %dma_start3A_19 : memref<1x125x80xi32, #tpu.memory_space<hbm>> -> memref<125x80xi32, #tpu.memory_space<hbm>>
      %dma_start3A_21 = arith.constant 0 : i32
      %dma_start3A_22 = arith.constant 0 : i32
      %dma_start3A_23 = tpu.memref_slice %arg2[%add3A, %dma_start3A_21, %dma_start3A_22] : memref<32x125x80xi32, #tpu.memory_space<hbm>> -> memref<1x125x80xi32, #tpu.memory_space<hbm>>
      %dma_start3A_24 = tpu.memref_squeeze %dma_start3A_23 : memref<1x125x80xi32, #tpu.memory_space<hbm>> -> memref<125x80xi32, #tpu.memory_space<hbm>>
      tpu.enqueue_dma source(%dma_start3A_24 : memref<125x80xi32, #tpu.memory_space<hbm>>) target(%arg4 : memref<125x80xi32, #tpu.memory_space<vmem>>) target_semaphore(%run_scoped3A : memref<!tpu.dma_semaphore, #tpu.memory_space<semaphore_mem>>)
      %dma_wait3A = arith.constant 0 : i32
      %dma_wait3A_25 = arith.constant 0 : i32
      %dma_wait3A_26 = tpu.memref_slice %arg2[%add3A, %dma_wait3A, %dma_wait3A_25] : memref<32x125x80xi32, #tpu.memory_space<hbm>> -> memref<1x125x80xi32, #tpu.memory_space<hbm>>
      %dma_wait3A_27 = tpu.memref_squeeze %dma_wait3A_26 : memref<1x125x80xi32, #tpu.memory_space<hbm>> -> memref<125x80xi32, #tpu.memory_space<hbm>>
      %dma_wait3A_28 = arith.constant 0 : i32
      %dma_wait3A_29 = arith.constant 0 : i32
      %dma_wait3A_30 = tpu.memref_slice %arg2[%add3A, %dma_wait3A_28, %dma_wait3A_29] : memref<32x125x80xi32, #tpu.memory_space<hbm>> -> memref<1x125x80xi32, #tpu.memory_space<hbm>>
      %dma_wait3A_31 = tpu.memref_squeeze %dma_wait3A_30 : memref<1x125x80xi32, #tpu.memory_space<hbm>> -> memref<125x80xi32, #tpu.memory_space<hbm>>
      tpu.wait_dma2 semaphore(%run_scoped3A : memref<!tpu.dma_semaphore, #tpu.memory_space<semaphore_mem>>) src(%dma_wait3A_31 : memref<125x80xi32, #tpu.memory_space<hbm>>) dst(%arg4 : memref<125x80xi32, #tpu.memory_space<vmem>>)
      tpu.yield
    }) : () -> ()
    %barrier3A = arith.constant 0 : index
    tpu.barrier barrier_id(%barrier3A)
    %scan3A_12 = arith.constant 0 : i32
    %scan3A_13 = arith.constant 125 : i32
    %scan3A_14 = arith.addi %scan3A_12, %scan3A_13 : i32
    %scan3A_15 = arith.constant 1 : i32
    scf.for %scan3A_18 = %scan3A_12 to %scan3A_14 step %scan3A_15  : i32 {
      %mul3A_19 = arith.constant 1 : i32
      %mul3A_20 = arith.muli %scan3A_18, %mul3A_19 : i32
      %add3A_21 = arith.constant 0 : i32
      %add3A_22 = arith.addi %add3A_21, %mul3A_20 : i32
      "tpu.region"() ({
        %run_scoped3A = tpu.sem_alloc : memref<!tpu.dma_semaphore, #tpu.memory_space<semaphore_mem>>
        %dma_start3A = arith.constant 0 : i32
        %dma_start3A_23 = tpu.memref_slice %arg4[%add3A_22, %dma_start3A] : memref<125x80xi32, #tpu.memory_space<vmem>> -> memref<1x80xi32, #tpu.memory_space<vmem>>
        %dma_start3A_24 = tpu.memref_squeeze %dma_start3A_23 : memref<1x80xi32, #tpu.memory_space<vmem>> -> memref<80xi32, #tpu.memory_space<vmem>>
        %dma_start3A_25 = arith.constant 0 : i32
        %dma_start3A_26 = arith.constant 0 : i32
        %dma_start3A_27 = tpu.memref_slice %arg7[%dma_start3A_25, %dma_start3A_26] : memref<10240x16xf32, #tpu.memory_space<vmem_shared>> -> memref<10240x16xf32, #tpu.memory_space<vmem_shared>>
        tpu.enqueue_indirect_dma source(%arg5 : memref<80x16xf32, #tpu.memory_space<vmem>>) target(%dma_start3A_27 : memref<10240x16xf32, #tpu.memory_space<vmem_shared>>) offsets(%dma_start3A_24 : memref<80xi32, #tpu.memory_space<vmem>>) semaphore(%run_scoped3A : memref<!tpu.dma_semaphore, #tpu.memory_space<semaphore_mem>>) {add = true}
        %dma_wait3A = arith.constant 0 : i32
        %dma_wait3A_28 = tpu.memref_slice %arg4[%add3A_22, %dma_wait3A] : memref<125x80xi32, #tpu.memory_space<vmem>> -> memref<1x80xi32, #tpu.memory_space<vmem>>
        %dma_wait3A_29 = tpu.memref_squeeze %dma_wait3A_28 : memref<1x80xi32, #tpu.memory_space<vmem>> -> memref<80xi32, #tpu.memory_space<vmem>>
        %dma_wait3A_30 = arith.constant 0 : i32
        %dma_wait3A_31 = arith.constant 0 : i32
        %dma_wait3A_32 = tpu.memref_slice %arg7[%dma_wait3A_30, %dma_wait3A_31] : memref<10240x16xf32, #tpu.memory_space<vmem_shared>> -> memref<10240x16xf32, #tpu.memory_space<vmem_shared>>
        tpu.wait_indirect_dma semaphore(%run_scoped3A : memref<!tpu.dma_semaphore, #tpu.memory_space<semaphore_mem>>) src(%arg5 : memref<80x16xf32, #tpu.memory_space<vmem>>) dst(%dma_wait3A_32 : memref<10240x16xf32, #tpu.memory_space<vmem_shared>>)
        tpu.yield
      }) : () -> ()
    }
    %scan3A_16 = arith.constant 125 : i32
    %barrier3A_17 = arith.constant 0 : index
    tpu.barrier barrier_id(%barrier3A_17)
    "tpu.region"() ({
      %run_scoped3A = tpu.sem_alloc : memref<!tpu.dma_semaphore, #tpu.memory_space<semaphore_mem>>
      %dma_start3A = arith.constant 0 : i32
      %dma_start3A_18 = tpu.memref_slice %arg3[%arg0, %mul3A_6, %dma_start3A] : memref<2x10240x16xf32, #tpu.memory_space<hbm>> -> memref<1x640x16xf32, #tpu.memory_space<hbm>>
      %dma_start3A_19 = tpu.memref_squeeze %dma_start3A_18 : memref<1x640x16xf32, #tpu.memory_space<hbm>> -> memref<640x16xf32, #tpu.memory_space<hbm>>
      %dma_start3A_20 = arith.constant 0 : i32
      %dma_start3A_21 = tpu.memref_slice %arg7[%mul3A_6, %dma_start3A_20] : memref<10240x16xf32, #tpu.memory_space<vmem_shared>> -> memref<640x16xf32, #tpu.memory_space<vmem_shared>>
      tpu.enqueue_dma source(%dma_start3A_21 : memref<640x16xf32, #tpu.memory_space<vmem_shared>>) target(%dma_start3A_19 : memref<640x16xf32, #tpu.memory_space<hbm>>) target_semaphore(%run_scoped3A : memref<!tpu.dma_semaphore, #tpu.memory_space<semaphore_mem>>)
      %dma_wait3A = arith.constant 0 : i32
      %dma_wait3A_22 = tpu.memref_slice %arg3[%arg0, %mul3A_6, %dma_wait3A] : memref<2x10240x16xf32, #tpu.memory_space<hbm>> -> memref<1x640x16xf32, #tpu.memory_space<hbm>>
      %dma_wait3A_23 = tpu.memref_squeeze %dma_wait3A_22 : memref<1x640x16xf32, #tpu.memory_space<hbm>> -> memref<640x16xf32, #tpu.memory_space<hbm>>
      %dma_wait3A_24 = arith.constant 0 : i32
      %dma_wait3A_25 = tpu.memref_slice %arg7[%mul3A_6, %dma_wait3A_24] : memref<10240x16xf32, #tpu.memory_space<vmem_shared>> -> memref<640x16xf32, #tpu.memory_space<vmem_shared>>
      tpu.wait_dma2 semaphore(%run_scoped3A : memref<!tpu.dma_semaphore, #tpu.memory_space<semaphore_mem>>) src(%dma_wait3A_25 : memref<640x16xf32, #tpu.memory_space<vmem_shared>>) dst(%dma_wait3A_23 : memref<640x16xf32, #tpu.memory_space<hbm>>)
      tpu.yield
    }) : () -> ()
    return
  }
}

#map = affine_map<(d0, d1) -> (0, 0, 0)>
module attributes {stable_mosaic.version = 14 : i64} {
  func.func @seg_kernel(%arg0: i32, %arg1: i32, %arg2: memref<2x10000x64xf32, #tpu.memory_space<hbm>>, %arg3: memref<16x250x80xi32, #tpu.memory_space<hbm>>, %arg4: memref<16x250x80xi32, #tpu.memory_space<hbm>>, %arg5: memref<2x10240x64xf32, #tpu.memory_space<hbm>>, %arg6: memref<250x80xi32, #tpu.memory_space<vmem>>, %arg7: memref<250x80xi32, #tpu.memory_space<vmem>>, %arg8: memref<80x64xf32, #tpu.memory_space<vmem>>, %arg9: memref<80x64xf32, #tpu.memory_space<vmem>>, %arg10: memref<10240x64xf32, #tpu.memory_space<vmem_shared>>, %arg11: memref<!tpu.dma_semaphore, #tpu.memory_space<semaphore_mem>>, %arg12: memref<!tpu.dma_semaphore, #tpu.memory_space<semaphore_mem>>) attributes {dimension_semantics = [#tpu.dimension_semantics<core_parallel>, #tpu.dimension_semantics<subcore_parallel>], iteration_bounds = array<i64: 2, 16>, scalar_prefetch = 0 : i64, scratch_operands = 7 : i64, tpu.core_type = #tpu.core_type<sc_vector_subcore>, window_params = [{transform_indices = #map}, {transform_indices = #map}, {transform_indices = #map}, {transform_indices = #map}]} {
    %scan3A = arith.constant 0 : i32
    %scan3A_0 = arith.constant 80 : i32
    %scan3A_1 = arith.addi %scan3A, %scan3A_0 : i32
    %scan3A_2 = arith.constant 1 : i32
    scf.for %scan3A_26 = %scan3A to %scan3A_1 step %scan3A_2  : i32 {
      %mul3A_27 = arith.constant 1 : i32
      %mul3A_28 = arith.muli %scan3A_26, %mul3A_27 : i32
      %add3A = arith.constant 0 : i32
      %add3A_29 = arith.addi %add3A, %mul3A_28 : i32
      %scan3A_30 = arith.constant 0 : i32
      %scan3A_31 = arith.constant 4 : i32
      %scan3A_32 = arith.addi %scan3A_30, %scan3A_31 : i32
      %scan3A_33 = arith.constant 1 : i32
      scf.for %scan3A_35 = %scan3A_30 to %scan3A_32 step %scan3A_33  : i32 {
        %mul3A_36 = arith.constant 16 : i32
        %mul3A_37 = arith.muli %scan3A_35, %mul3A_36 : i32
        %add3A_38 = arith.constant 0 : i32
        %add3A_39 = arith.addi %add3A_38, %mul3A_37 : i32
        %broadcast_in_dim3A = arith.constant 0.000000e+00 : f32
        %broadcast_in_dim3A_40 = vector.broadcast %broadcast_in_dim3A : f32 to vector<1x16xf32>
        %swap3A = arith.index_cast %add3A_29 : i32 to index
        %swap3A_41 = arith.index_cast %add3A_39 : i32 to index
        %swap3A_42 = tpu.vector_load %arg8[%swap3A, %swap3A_41] {strides = array<i32>} : memref<80x64xf32, #tpu.memory_space<vmem>>, vector<1x16xf32>,
        %swap3A_43 = vector.shape_cast %swap3A_42 : vector<1x16xf32> to vector<1x16xf32>
        %swap3A_44 = vector.shape_cast %broadcast_in_dim3A_40 : vector<1x16xf32> to vector<1x16xf32>
        tpu.vector_store %arg8[%swap3A, %swap3A_41], %swap3A_44 {strides = array<i32>} : memref<80x64xf32, #tpu.memory_space<vmem>>, vector<1x16xf32>,
      }
      %scan3A_34 = arith.constant 4 : i32
    }
    %scan3A_3 = arith.constant 80 : i32
    %mul3A = arith.constant 640 : i32
    %mul3A_4 = arith.muli %arg1, %mul3A : i32
    %scan3A_5 = arith.constant 0 : i32
    %scan3A_6 = arith.constant 8 : i32
    %scan3A_7 = arith.addi %scan3A_5, %scan3A_6 : i32
    %scan3A_8 = arith.constant 1 : i32
    scf.for %scan3A_26 = %scan3A_5 to %scan3A_7 step %scan3A_8  : i32 {
      %mul3A_27 = arith.constant 1 : i32
      %mul3A_28 = arith.muli %scan3A_26, %mul3A_27 : i32
      %add3A = arith.constant 0 : i32
      %add3A_29 = arith.addi %add3A, %mul3A_28 : i32
      %mul3A_30 = arith.constant 80 : i32
      %mul3A_31 = arith.muli %add3A_29, %mul3A_30 : i32
      %add3A_32 = arith.addi %mul3A_4, %mul3A_31 : i32
      "tpu.region"() ({
        %run_scoped3A = tpu.sem_alloc : memref<!tpu.dma_semaphore, #tpu.memory_space<semaphore_mem>>
        %dma_start3A_33 = arith.constant 0 : i32
        %dma_start3A_34 = tpu.memref_slice %arg10[%add3A_32, %dma_start3A_33] : memref<10240x64xf32, #tpu.memory_space<vmem_shared>> -> memref<80x64xf32, #tpu.memory_space<vmem_shared>>
        %dma_start3A_35 = arith.constant 0 : i32
        %dma_start3A_36 = tpu.memref_slice %arg10[%add3A_32, %dma_start3A_35] : memref<10240x64xf32, #tpu.memory_space<vmem_shared>> -> memref<80x64xf32, #tpu.memory_space<vmem_shared>>
        tpu.enqueue_dma source(%arg8 : memref<80x64xf32, #tpu.memory_space<vmem>>) target(%dma_start3A_36 : memref<80x64xf32, #tpu.memory_space<vmem_shared>>) target_semaphore(%run_scoped3A : memref<!tpu.dma_semaphore, #tpu.memory_space<semaphore_mem>>)
        %dma_wait3A = arith.constant 0 : i32
        %dma_wait3A_37 = tpu.memref_slice %arg10[%add3A_32, %dma_wait3A] : memref<10240x64xf32, #tpu.memory_space<vmem_shared>> -> memref<80x64xf32, #tpu.memory_space<vmem_shared>>
        %dma_wait3A_38 = arith.constant 0 : i32
        %dma_wait3A_39 = tpu.memref_slice %arg10[%add3A_32, %dma_wait3A_38] : memref<10240x64xf32, #tpu.memory_space<vmem_shared>> -> memref<80x64xf32, #tpu.memory_space<vmem_shared>>
        tpu.wait_dma2 semaphore(%run_scoped3A : memref<!tpu.dma_semaphore, #tpu.memory_space<semaphore_mem>>) src(%arg8 : memref<80x64xf32, #tpu.memory_space<vmem>>) dst(%dma_wait3A_39 : memref<80x64xf32, #tpu.memory_space<vmem_shared>>)
        tpu.yield
      }) : () -> ()
    }
    %scan3A_9 = arith.constant 8 : i32
    "tpu.region"() ({
      %run_scoped3A = tpu.sem_alloc : memref<!tpu.dma_semaphore, #tpu.memory_space<semaphore_mem>>
      %dma_start3A_26 = arith.constant 0 : i32
      %dma_start3A_27 = arith.constant 0 : i32
      %dma_start3A_28 = tpu.memref_slice %arg3[%arg1, %dma_start3A_26, %dma_start3A_27] : memref<16x250x80xi32, #tpu.memory_space<hbm>> -> memref<1x250x80xi32, #tpu.memory_space<hbm>>
      %dma_start3A_29 = tpu.memref_squeeze %dma_start3A_28 : memref<1x250x80xi32, #tpu.memory_space<hbm>> -> memref<250x80xi32, #tpu.memory_space<hbm>>
      %dma_start3A_30 = arith.constant 0 : i32
      %dma_start3A_31 = arith.constant 0 : i32
      %dma_start3A_32 = tpu.memref_slice %arg3[%arg1, %dma_start3A_30, %dma_start3A_31] : memref<16x250x80xi32, #tpu.memory_space<hbm>> -> memref<1x250x80xi32, #tpu.memory_space<hbm>>
      %dma_start3A_33 = tpu.memref_squeeze %dma_start3A_32 : memref<1x250x80xi32, #tpu.memory_space<hbm>> -> memref<250x80xi32, #tpu.memory_space<hbm>>
      tpu.enqueue_dma source(%dma_start3A_33 : memref<250x80xi32, #tpu.memory_space<hbm>>) target(%arg6 : memref<250x80xi32, #tpu.memory_space<vmem>>) target_semaphore(%run_scoped3A : memref<!tpu.dma_semaphore, #tpu.memory_space<semaphore_mem>>)
      %dma_wait3A = arith.constant 0 : i32
      %dma_wait3A_34 = arith.constant 0 : i32
      %dma_wait3A_35 = tpu.memref_slice %arg3[%arg1, %dma_wait3A, %dma_wait3A_34] : memref<16x250x80xi32, #tpu.memory_space<hbm>> -> memref<1x250x80xi32, #tpu.memory_space<hbm>>
      %dma_wait3A_36 = tpu.memref_squeeze %dma_wait3A_35 : memref<1x250x80xi32, #tpu.memory_space<hbm>> -> memref<250x80xi32, #tpu.memory_space<hbm>>
      %dma_wait3A_37 = arith.constant 0 : i32
      %dma_wait3A_38 = arith.constant 0 : i32
      %dma_wait3A_39 = tpu.memref_slice %arg3[%arg1, %dma_wait3A_37, %dma_wait3A_38] : memref<16x250x80xi32, #tpu.memory_space<hbm>> -> memref<1x250x80xi32, #tpu.memory_space<hbm>>
      %dma_wait3A_40 = tpu.memref_squeeze %dma_wait3A_39 : memref<1x250x80xi32, #tpu.memory_space<hbm>> -> memref<250x80xi32, #tpu.memory_space<hbm>>
      tpu.wait_dma2 semaphore(%run_scoped3A : memref<!tpu.dma_semaphore, #tpu.memory_space<semaphore_mem>>) src(%dma_wait3A_40 : memref<250x80xi32, #tpu.memory_space<hbm>>) dst(%arg6 : memref<250x80xi32, #tpu.memory_space<vmem>>)
      tpu.yield
    }) : () -> ()
    "tpu.region"() ({
      %run_scoped3A = tpu.sem_alloc : memref<!tpu.dma_semaphore, #tpu.memory_space<semaphore_mem>>
      %dma_start3A_26 = arith.constant 0 : i32
      %dma_start3A_27 = arith.constant 0 : i32
      %dma_start3A_28 = tpu.memref_slice %arg4[%arg1, %dma_start3A_26, %dma_start3A_27] : memref<16x250x80xi32, #tpu.memory_space<hbm>> -> memref<1x250x80xi32, #tpu.memory_space<hbm>>
      %dma_start3A_29 = tpu.memref_squeeze %dma_start3A_28 : memref<1x250x80xi32, #tpu.memory_space<hbm>> -> memref<250x80xi32, #tpu.memory_space<hbm>>
      %dma_start3A_30 = arith.constant 0 : i32
      %dma_start3A_31 = arith.constant 0 : i32
      %dma_start3A_32 = tpu.memref_slice %arg4[%arg1, %dma_start3A_30, %dma_start3A_31] : memref<16x250x80xi32, #tpu.memory_space<hbm>> -> memref<1x250x80xi32, #tpu.memory_space<hbm>>
      %dma_start3A_33 = tpu.memref_squeeze %dma_start3A_32 : memref<1x250x80xi32, #tpu.memory_space<hbm>> -> memref<250x80xi32, #tpu.memory_space<hbm>>
      tpu.enqueue_dma source(%dma_start3A_33 : memref<250x80xi32, #tpu.memory_space<hbm>>) target(%arg7 : memref<250x80xi32, #tpu.memory_space<vmem>>) target_semaphore(%run_scoped3A : memref<!tpu.dma_semaphore, #tpu.memory_space<semaphore_mem>>)
      %dma_wait3A = arith.constant 0 : i32
      %dma_wait3A_34 = arith.constant 0 : i32
      %dma_wait3A_35 = tpu.memref_slice %arg4[%arg1, %dma_wait3A, %dma_wait3A_34] : memref<16x250x80xi32, #tpu.memory_space<hbm>> -> memref<1x250x80xi32, #tpu.memory_space<hbm>>
      %dma_wait3A_36 = tpu.memref_squeeze %dma_wait3A_35 : memref<1x250x80xi32, #tpu.memory_space<hbm>> -> memref<250x80xi32, #tpu.memory_space<hbm>>
      %dma_wait3A_37 = arith.constant 0 : i32
      %dma_wait3A_38 = arith.constant 0 : i32
      %dma_wait3A_39 = tpu.memref_slice %arg4[%arg1, %dma_wait3A_37, %dma_wait3A_38] : memref<16x250x80xi32, #tpu.memory_space<hbm>> -> memref<1x250x80xi32, #tpu.memory_space<hbm>>
      %dma_wait3A_40 = tpu.memref_squeeze %dma_wait3A_39 : memref<1x250x80xi32, #tpu.memory_space<hbm>> -> memref<250x80xi32, #tpu.memory_space<hbm>>
      tpu.wait_dma2 semaphore(%run_scoped3A : memref<!tpu.dma_semaphore, #tpu.memory_space<semaphore_mem>>) src(%dma_wait3A_40 : memref<250x80xi32, #tpu.memory_space<hbm>>) dst(%arg7 : memref<250x80xi32, #tpu.memory_space<vmem>>)
      tpu.yield
    }) : () -> ()
    %barrier3A = arith.constant 0 : index
    tpu.barrier barrier_id(%barrier3A)
    %dma_start3A = arith.constant 0 : i32
    %dma_start3A_10 = arith.constant 0 : i32
    %dma_start3A_11 = tpu.memref_slice %arg6[%dma_start3A, %dma_start3A_10] : memref<250x80xi32, #tpu.memory_space<vmem>> -> memref<1x80xi32, #tpu.memory_space<vmem>>
    %dma_start3A_12 = tpu.memref_squeeze %dma_start3A_11 : memref<1x80xi32, #tpu.memory_space<vmem>> -> memref<80xi32, #tpu.memory_space<vmem>>
    %dma_start3A_13 = arith.constant 0 : i32
    %dma_start3A_14 = arith.constant 0 : i32
    %dma_start3A_15 = tpu.memref_slice %arg2[%arg0, %dma_start3A_13, %dma_start3A_14] : memref<2x10000x64xf32, #tpu.memory_space<hbm>> -> memref<1x10000x64xf32, #tpu.memory_space<hbm>>
    %dma_start3A_16 = tpu.memref_squeeze %dma_start3A_15 : memref<1x10000x64xf32, #tpu.memory_space<hbm>> -> memref<10000x64xf32, #tpu.memory_space<hbm>>
    %dma_start3A_17 = arith.constant 0 : i32
    %dma_start3A_18 = arith.constant 0 : i32
    %dma_start3A_19 = tpu.memref_slice %dma_start3A_16[%dma_start3A_17, %dma_start3A_18] : memref<10000x64xf32, #tpu.memory_space<hbm>> -> memref<10000x64xf32, #tpu.memory_space<hbm>>
    tpu.enqueue_indirect_dma source(%dma_start3A_19 : memref<10000x64xf32, #tpu.memory_space<hbm>>) target(%arg8 : memref<80x64xf32, #tpu.memory_space<vmem>>) offsets(%dma_start3A_12 : memref<80xi32, #tpu.memory_space<vmem>>) semaphore(%arg11 : memref<!tpu.dma_semaphore, #tpu.memory_space<semaphore_mem>>)
    %scan3A_20 = arith.constant 0 : i32
    %scan3A_21 = arith.constant 125 : i32
    %scan3A_22 = arith.addi %scan3A_20, %scan3A_21 : i32
    %scan3A_23 = arith.constant 1 : i32
    scf.for %scan3A_26 = %scan3A_20 to %scan3A_22 step %scan3A_23  : i32 {
      %mul3A_27 = arith.constant 2 : i32
      %mul3A_28 = arith.muli %scan3A_26, %mul3A_27 : i32
      %add3A = arith.constant 0 : i32
      %add3A_29 = arith.addi %add3A, %mul3A_28 : i32
      %add3A_30 = arith.constant 1 : i32
      %add3A_31 = arith.addi %add3A_29, %add3A_30 : i32
      %dma_start3A_32 = arith.constant 0 : i32
      %dma_start3A_33 = tpu.memref_slice %arg6[%add3A_31, %dma_start3A_32] : memref<250x80xi32, #tpu.memory_space<vmem>> -> memref<1x80xi32, #tpu.memory_space<vmem>>
      %dma_start3A_34 = tpu.memref_squeeze %dma_start3A_33 : memref<1x80xi32, #tpu.memory_space<vmem>> -> memref<80xi32, #tpu.memory_space<vmem>>
      %dma_start3A_35 = arith.constant 0 : i32
      %dma_start3A_36 = arith.constant 0 : i32
      %dma_start3A_37 = tpu.memref_slice %arg2[%arg0, %dma_start3A_35, %dma_start3A_36] : memref<2x10000x64xf32, #tpu.memory_space<hbm>> -> memref<1x10000x64xf32, #tpu.memory_space<hbm>>
      %dma_start3A_38 = tpu.memref_squeeze %dma_start3A_37 : memref<1x10000x64xf32, #tpu.memory_space<hbm>> -> memref<10000x64xf32, #tpu.memory_space<hbm>>
      %dma_start3A_39 = arith.constant 0 : i32
      %dma_start3A_40 = arith.constant 0 : i32
      %dma_start3A_41 = tpu.memref_slice %dma_start3A_38[%dma_start3A_39, %dma_start3A_40] : memref<10000x64xf32, #tpu.memory_space<hbm>> -> memref<10000x64xf32, #tpu.memory_space<hbm>>
      tpu.enqueue_indirect_dma source(%dma_start3A_41 : memref<10000x64xf32, #tpu.memory_space<hbm>>) target(%arg9 : memref<80x64xf32, #tpu.memory_space<vmem>>) offsets(%dma_start3A_34 : memref<80xi32, #tpu.memory_space<vmem>>) semaphore(%arg12 : memref<!tpu.dma_semaphore, #tpu.memory_space<semaphore_mem>>)
      %dma_wait3A = arith.constant 0 : i32
      %dma_wait3A_42 = tpu.memref_slice %arg6[%add3A_29, %dma_wait3A] : memref<250x80xi32, #tpu.memory_space<vmem>> -> memref<1x80xi32, #tpu.memory_space<vmem>>
      %dma_wait3A_43 = tpu.memref_squeeze %dma_wait3A_42 : memref<1x80xi32, #tpu.memory_space<vmem>> -> memref<80xi32, #tpu.memory_space<vmem>>
      %dma_wait3A_44 = arith.constant 0 : i32
      %dma_wait3A_45 = arith.constant 0 : i32
      %dma_wait3A_46 = tpu.memref_slice %arg2[%arg0, %dma_wait3A_44, %dma_wait3A_45] : memref<2x10000x64xf32, #tpu.memory_space<hbm>> -> memref<1x10000x64xf32, #tpu.memory_space<hbm>>
      %dma_wait3A_47 = tpu.memref_squeeze %dma_wait3A_46 : memref<1x10000x64xf32, #tpu.memory_space<hbm>> -> memref<10000x64xf32, #tpu.memory_space<hbm>>
      %dma_wait3A_48 = arith.constant 0 : i32
      %dma_wait3A_49 = arith.constant 0 : i32
      %dma_wait3A_50 = tpu.memref_slice %dma_wait3A_47[%dma_wait3A_48, %dma_wait3A_49] : memref<10000x64xf32, #tpu.memory_space<hbm>> -> memref<10000x64xf32, #tpu.memory_space<hbm>>
      tpu.wait_indirect_dma semaphore(%arg11 : memref<!tpu.dma_semaphore, #tpu.memory_space<semaphore_mem>>) src(%dma_wait3A_50 : memref<10000x64xf32, #tpu.memory_space<hbm>>) dst(%arg8 : memref<80x64xf32, #tpu.memory_space<vmem>>)
      "tpu.region"() ({
        %run_scoped3A = tpu.sem_alloc : memref<!tpu.dma_semaphore, #tpu.memory_space<semaphore_mem>>
        %dma_start3A_69 = arith.constant 0 : i32
        %dma_start3A_70 = tpu.memref_slice %arg7[%add3A_29, %dma_start3A_69] : memref<250x80xi32, #tpu.memory_space<vmem>> -> memref<1x80xi32, #tpu.memory_space<vmem>>
        %dma_start3A_71 = tpu.memref_squeeze %dma_start3A_70 : memref<1x80xi32, #tpu.memory_space<vmem>> -> memref<80xi32, #tpu.memory_space<vmem>>
        %dma_start3A_72 = arith.constant 0 : i32
        %dma_start3A_73 = arith.constant 0 : i32
        %dma_start3A_74 = tpu.memref_slice %arg10[%dma_start3A_72, %dma_start3A_73] : memref<10240x64xf32, #tpu.memory_space<vmem_shared>> -> memref<10240x64xf32, #tpu.memory_space<vmem_shared>>
        tpu.enqueue_indirect_dma source(%arg8 : memref<80x64xf32, #tpu.memory_space<vmem>>) target(%dma_start3A_74 : memref<10240x64xf32, #tpu.memory_space<vmem_shared>>) offsets(%dma_start3A_71 : memref<80xi32, #tpu.memory_space<vmem>>) semaphore(%run_scoped3A : memref<!tpu.dma_semaphore, #tpu.memory_space<semaphore_mem>>) {add = true}
        %dma_wait3A_75 = arith.constant 0 : i32
        %dma_wait3A_76 = tpu.memref_slice %arg7[%add3A_29, %dma_wait3A_75] : memref<250x80xi32, #tpu.memory_space<vmem>> -> memref<1x80xi32, #tpu.memory_space<vmem>>
        %dma_wait3A_77 = tpu.memref_squeeze %dma_wait3A_76 : memref<1x80xi32, #tpu.memory_space<vmem>> -> memref<80xi32, #tpu.memory_space<vmem>>
        %dma_wait3A_78 = arith.constant 0 : i32
        %dma_wait3A_79 = arith.constant 0 : i32
        %dma_wait3A_80 = tpu.memref_slice %arg10[%dma_wait3A_78, %dma_wait3A_79] : memref<10240x64xf32, #tpu.memory_space<vmem_shared>> -> memref<10240x64xf32, #tpu.memory_space<vmem_shared>>
        tpu.wait_indirect_dma semaphore(%run_scoped3A : memref<!tpu.dma_semaphore, #tpu.memory_space<semaphore_mem>>) src(%arg8 : memref<80x64xf32, #tpu.memory_space<vmem>>) dst(%dma_wait3A_80 : memref<10240x64xf32, #tpu.memory_space<vmem_shared>>)
        tpu.yield
      }) : () -> ()
      %add3A_51 = arith.constant 2 : i32
      %add3A_52 = arith.addi %add3A_29, %add3A_51 : i32
      %lt3A = arith.constant 250 : i32
      %lt3A_53 = arith.cmpi slt, %add3A_52, %lt3A : i32
      %convert_element_type3A = arith.extui %lt3A_53 : i1 to i32
      %cond3A = arith.constant 0 : i32
      %cond3A_54 = arith.cmpi ne, %convert_element_type3A, %cond3A : i32
      scf.if %cond3A_54 {
        %add3A_69 = arith.constant 2 : i32
        %add3A_70 = arith.addi %add3A_29, %add3A_69 : i32
        %dma_start3A_71 = arith.constant 0 : i32
        %dma_start3A_72 = tpu.memref_slice %arg6[%add3A_70, %dma_start3A_71] : memref<250x80xi32, #tpu.memory_space<vmem>> -> memref<1x80xi32, #tpu.memory_space<vmem>>
        %dma_start3A_73 = tpu.memref_squeeze %dma_start3A_72 : memref<1x80xi32, #tpu.memory_space<vmem>> -> memref<80xi32, #tpu.memory_space<vmem>>
        %dma_start3A_74 = arith.constant 0 : i32
        %dma_start3A_75 = arith.constant 0 : i32
        %dma_start3A_76 = tpu.memref_slice %arg2[%arg0, %dma_start3A_74, %dma_start3A_75] : memref<2x10000x64xf32, #tpu.memory_space<hbm>> -> memref<1x10000x64xf32, #tpu.memory_space<hbm>>
        %dma_start3A_77 = tpu.memref_squeeze %dma_start3A_76 : memref<1x10000x64xf32, #tpu.memory_space<hbm>> -> memref<10000x64xf32, #tpu.memory_space<hbm>>
        %dma_start3A_78 = arith.constant 0 : i32
        %dma_start3A_79 = arith.constant 0 : i32
        %dma_start3A_80 = tpu.memref_slice %dma_start3A_77[%dma_start3A_78, %dma_start3A_79] : memref<10000x64xf32, #tpu.memory_space<hbm>> -> memref<10000x64xf32, #tpu.memory_space<hbm>>
        tpu.enqueue_indirect_dma source(%dma_start3A_80 : memref<10000x64xf32, #tpu.memory_space<hbm>>) target(%arg8 : memref<80x64xf32, #tpu.memory_space<vmem>>) offsets(%dma_start3A_73 : memref<80xi32, #tpu.memory_space<vmem>>) semaphore(%arg11 : memref<!tpu.dma_semaphore, #tpu.memory_space<semaphore_mem>>)
      } else {
      }
      %add3A_55 = arith.constant 1 : i32
      %add3A_56 = arith.addi %add3A_29, %add3A_55 : i32
      %dma_wait3A_57 = arith.constant 0 : i32
      %dma_wait3A_58 = tpu.memref_slice %arg6[%add3A_56, %dma_wait3A_57] : memref<250x80xi32, #tpu.memory_space<vmem>> -> memref<1x80xi32, #tpu.memory_space<vmem>>
      %dma_wait3A_59 = tpu.memref_squeeze %dma_wait3A_58 : memref<1x80xi32, #tpu.memory_space<vmem>> -> memref<80xi32, #tpu.memory_space<vmem>>
      %dma_wait3A_60 = arith.constant 0 : i32
      %dma_wait3A_61 = arith.constant 0 : i32
      %dma_wait3A_62 = tpu.memref_slice %arg2[%arg0, %dma_wait3A_60, %dma_wait3A_61] : memref<2x10000x64xf32, #tpu.memory_space<hbm>> -> memref<1x10000x64xf32, #tpu.memory_space<hbm>>
      %dma_wait3A_63 = tpu.memref_squeeze %dma_wait3A_62 : memref<1x10000x64xf32, #tpu.memory_space<hbm>> -> memref<10000x64xf32, #tpu.memory_space<hbm>>
      %dma_wait3A_64 = arith.constant 0 : i32
      %dma_wait3A_65 = arith.constant 0 : i32
      %dma_wait3A_66 = tpu.memref_slice %dma_wait3A_63[%dma_wait3A_64, %dma_wait3A_65] : memref<10000x64xf32, #tpu.memory_space<hbm>> -> memref<10000x64xf32, #tpu.memory_space<hbm>>
      tpu.wait_indirect_dma semaphore(%arg12 : memref<!tpu.dma_semaphore, #tpu.memory_space<semaphore_mem>>) src(%dma_wait3A_66 : memref<10000x64xf32, #tpu.memory_space<hbm>>) dst(%arg9 : memref<80x64xf32, #tpu.memory_space<vmem>>)
      %add3A_67 = arith.constant 1 : i32
      %add3A_68 = arith.addi %add3A_29, %add3A_67 : i32
      "tpu.region"() ({
        %run_scoped3A = tpu.sem_alloc : memref<!tpu.dma_semaphore, #tpu.memory_space<semaphore_mem>>
        %dma_start3A_69 = arith.constant 0 : i32
        %dma_start3A_70 = tpu.memref_slice %arg7[%add3A_68, %dma_start3A_69] : memref<250x80xi32, #tpu.memory_space<vmem>> -> memref<1x80xi32, #tpu.memory_space<vmem>>
        %dma_start3A_71 = tpu.memref_squeeze %dma_start3A_70 : memref<1x80xi32, #tpu.memory_space<vmem>> -> memref<80xi32, #tpu.memory_space<vmem>>
        %dma_start3A_72 = arith.constant 0 : i32
        %dma_start3A_73 = arith.constant 0 : i32
        %dma_start3A_74 = tpu.memref_slice %arg10[%dma_start3A_72, %dma_start3A_73] : memref<10240x64xf32, #tpu.memory_space<vmem_shared>> -> memref<10240x64xf32, #tpu.memory_space<vmem_shared>>
        tpu.enqueue_indirect_dma source(%arg9 : memref<80x64xf32, #tpu.memory_space<vmem>>) target(%dma_start3A_74 : memref<10240x64xf32, #tpu.memory_space<vmem_shared>>) offsets(%dma_start3A_71 : memref<80xi32, #tpu.memory_space<vmem>>) semaphore(%run_scoped3A : memref<!tpu.dma_semaphore, #tpu.memory_space<semaphore_mem>>) {add = true}
        %dma_wait3A_75 = arith.constant 0 : i32
        %dma_wait3A_76 = tpu.memref_slice %arg7[%add3A_68, %dma_wait3A_75] : memref<250x80xi32, #tpu.memory_space<vmem>> -> memref<1x80xi32, #tpu.memory_space<vmem>>
        %dma_wait3A_77 = tpu.memref_squeeze %dma_wait3A_76 : memref<1x80xi32, #tpu.memory_space<vmem>> -> memref<80xi32, #tpu.memory_space<vmem>>
        %dma_wait3A_78 = arith.constant 0 : i32
        %dma_wait3A_79 = arith.constant 0 : i32
        %dma_wait3A_80 = tpu.memref_slice %arg10[%dma_wait3A_78, %dma_wait3A_79] : memref<10240x64xf32, #tpu.memory_space<vmem_shared>> -> memref<10240x64xf32, #tpu.memory_space<vmem_shared>>
        tpu.wait_indirect_dma semaphore(%run_scoped3A : memref<!tpu.dma_semaphore, #tpu.memory_space<semaphore_mem>>) src(%arg9 : memref<80x64xf32, #tpu.memory_space<vmem>>) dst(%dma_wait3A_80 : memref<10240x64xf32, #tpu.memory_space<vmem_shared>>)
        tpu.yield
      }) : () -> ()
    }
    %scan3A_24 = arith.constant 125 : i32
    %barrier3A_25 = arith.constant 0 : index
    tpu.barrier barrier_id(%barrier3A_25)
    "tpu.region"() ({
      %run_scoped3A = tpu.sem_alloc : memref<!tpu.dma_semaphore, #tpu.memory_space<semaphore_mem>>
      %dma_start3A_26 = arith.constant 0 : i32
      %dma_start3A_27 = tpu.memref_slice %arg5[%arg0, %mul3A_4, %dma_start3A_26] : memref<2x10240x64xf32, #tpu.memory_space<hbm>> -> memref<1x640x64xf32, #tpu.memory_space<hbm>>
      %dma_start3A_28 = tpu.memref_squeeze %dma_start3A_27 : memref<1x640x64xf32, #tpu.memory_space<hbm>> -> memref<640x64xf32, #tpu.memory_space<hbm>>
      %dma_start3A_29 = arith.constant 0 : i32
      %dma_start3A_30 = tpu.memref_slice %arg10[%mul3A_4, %dma_start3A_29] : memref<10240x64xf32, #tpu.memory_space<vmem_shared>> -> memref<640x64xf32, #tpu.memory_space<vmem_shared>>
      tpu.enqueue_dma source(%dma_start3A_30 : memref<640x64xf32, #tpu.memory_space<vmem_shared>>) target(%dma_start3A_28 : memref<640x64xf32, #tpu.memory_space<hbm>>) target_semaphore(%run_scoped3A : memref<!tpu.dma_semaphore, #tpu.memory_space<semaphore_mem>>)
      %dma_wait3A = arith.constant 0 : i32
      %dma_wait3A_31 = tpu.memref_slice %arg5[%arg0, %mul3A_4, %dma_wait3A] : memref<2x10240x64xf32, #tpu.memory_space<hbm>> -> memref<1x640x64xf32, #tpu.memory_space<hbm>>
      %dma_wait3A_32 = tpu.memref_squeeze %dma_wait3A_31 : memref<1x640x64xf32, #tpu.memory_space<hbm>> -> memref<640x64xf32, #tpu.memory_space<hbm>>
      %dma_wait3A_33 = arith.constant 0 : i32
      %dma_wait3A_34 = tpu.memref_slice %arg10[%mul3A_4, %dma_wait3A_33] : memref<10240x64xf32, #tpu.memory_space<vmem_shared>> -> memref<640x64xf32, #tpu.memory_space<vmem_shared>>
      tpu.wait_dma2 semaphore(%run_scoped3A : memref<!tpu.dma_semaphore, #tpu.memory_space<semaphore_mem>>) src(%dma_wait3A_34 : memref<640x64xf32, #tpu.memory_space<vmem_shared>>) dst(%dma_wait3A_32 : memref<640x64xf32, #tpu.memory_space<hbm>>)
      tpu.yield
    }) : () -> ()
    return
  }
}

module attributes {stable_mosaic.version = 14 : i64} {
  func.func @body(%arg0: i32, %arg1: memref<2x2000x16xf32, #tpu.memory_space<vmem>>, %arg2: memref<2000x128xf32, #tpu.memory_space<vmem>>, %arg3: memref<128x128xf32, #tpu.memory_space<vmem>>, %arg4: memref<2x2000x64xf32, #tpu.memory_space<vmem>>, %arg5: memref<2000x16xf32, #tpu.memory_space<vmem>>) attributes {dimension_semantics = [#tpu.dimension_semantics<arbitrary>], iteration_bounds = array<i64: 5>, scalar_prefetch = 0 : i64, scratch_operands = 0 : i64, tpu.core_type = #tpu.core_type<tc>, window_params = [{transform_indices = @transform_0, window_bounds = array<i64: 2, 2000, 16>}, {transform_indices = @transform_1, window_bounds = array<i64: 2000, 128>}, {pipeline_mode = #tpu.pipeline_mode<synchronous>, transform_indices = @transform_2, window_bounds = array<i64: 128, 128>}, {transform_indices = @transform_3, window_bounds = array<i64: 2, 2000, 64>}, {transform_indices = @transform_4, window_bounds = array<i64: 2000, 16>}]} {
    %get3A = arith.constant 0 : index
    %get3A_0 = arith.constant 0 : index
    %get3A_1 = arith.constant 0 : index
    %get3A_2 = vector.load %arg1[%get3A, %get3A_0, %get3A_1] : memref<2x2000x16xf32, #tpu.memory_space<vmem>>, vector<2x2000x16xf32>
    %slice3A = vector.extract_strided_slice %get3A_2 {offsets = [0, 0, 0], sizes = [1, 2000, 1], strides = [1, 1, 1]} : vector<2x2000x16xf32> to vector<1x2000x1xf32>
    %squeeze3A = vector.shape_cast %slice3A : vector<1x2000x1xf32> to vector<2000x1xf32>
    %slice3A_3 = vector.extract_strided_slice %get3A_2 {offsets = [1, 0, 0], sizes = [1, 2000, 1], strides = [1, 1, 1]} : vector<2x2000x16xf32> to vector<1x2000x1xf32>
    %squeeze3A_4 = vector.shape_cast %slice3A_3 : vector<1x2000x1xf32> to vector<2000x1xf32>
    %add3A = arith.addf %squeeze3A, %squeeze3A_4 : vector<2000x1xf32>
    %add3A_5 = arith.constant 1.000000e+00 : f32
    %add3A_6 = vector.broadcast %add3A_5 : f32 to vector<2000x1xf32>
    %add3A_7 = arith.addf %add3A, %add3A_6 : vector<2000x1xf32>
    %rsqrt3A = math.rsqrt %add3A_7 : vector<2000x1xf32>
    %get3A_8 = arith.constant 0 : index
    %get3A_9 = arith.constant 0 : index
    %get3A_10 = vector.load %arg2[%get3A_8, %get3A_9] : memref<2000x128xf32, #tpu.memory_space<vmem>>, vector<2000x128xf32>
    %get3A_11 = arith.constant 0 : index
    %get3A_12 = arith.constant 0 : index
    %get3A_13 = vector.load %arg3[%get3A_11, %get3A_12] : memref<128x128xf32, #tpu.memory_space<vmem>>, vector<128x128xf32>
    %dot_general3A = arith.constant dense<0.000000e+00> : vector<2000x128xf32>
    %dot_general3A_14 = tpu.matmul %get3A_10, %get3A_13, %dot_general3A {dimension_numbers = #tpu.dot_dimension_numbers<[1], [0], [0], [1], [0, 0, 1, 1], [], []>, transpose_lhs_hint = false} : vector<2000x128xf32>, vector<128x128xf32>, vector<2000x128xf32> -> vector<2000x128xf32>
    %mul3A = vector.broadcast %rsqrt3A : vector<2000x1xf32> to vector<2000x128xf32>
    %mul3A_15 = arith.mulf %mul3A, %dot_general3A_14 : vector<2000x128xf32>
    %slice3A_16 = vector.extract_strided_slice %mul3A_15 {offsets = [0, 0], sizes = [2000, 64], strides = [1, 1]} : vector<2000x128xf32> to vector<2000x64xf32>
    %swap3A = arith.constant 0 : index
    %swap3A_17 = arith.constant 0 : index
    %swap3A_18 = arith.constant 0 : index
    %swap3A_19 = vector.load %arg4[%swap3A, %swap3A_17, %swap3A_18] : memref<2x2000x64xf32, #tpu.memory_space<vmem>>, vector<1x2000x64xf32>
    %swap3A_20 = vector.shape_cast %swap3A_19 : vector<1x2000x64xf32> to vector<2000x64xf32>
    %swap3A_21 = vector.shape_cast %slice3A_16 : vector<2000x64xf32> to vector<1x2000x64xf32>
    tpu.vector_store %arg4[%swap3A, %swap3A_17, %swap3A_18], %swap3A_21 {strides = array<i32>} : memref<2x2000x64xf32, #tpu.memory_space<vmem>>, vector<1x2000x64xf32>,
    %slice3A_22 = vector.extract_strided_slice %mul3A_15 {offsets = [0, 64], sizes = [2000, 64], strides = [1, 1]} : vector<2000x128xf32> to vector<2000x64xf32>
    %swap3A_23 = arith.constant 1 : index
    %swap3A_24 = arith.constant 0 : index
    %swap3A_25 = arith.constant 0 : index
    %swap3A_26 = vector.load %arg4[%swap3A_23, %swap3A_24, %swap3A_25] : memref<2x2000x64xf32, #tpu.memory_space<vmem>>, vector<1x2000x64xf32>
    %swap3A_27 = vector.shape_cast %swap3A_26 : vector<1x2000x64xf32> to vector<2000x64xf32>
    %swap3A_28 = vector.shape_cast %slice3A_22 : vector<2000x64xf32> to vector<1x2000x64xf32>
    tpu.vector_store %arg4[%swap3A_23, %swap3A_24, %swap3A_25], %swap3A_28 {strides = array<i32>} : memref<2x2000x64xf32, #tpu.memory_space<vmem>>, vector<1x2000x64xf32>,
    %broadcast_in_dim3A = vector.shape_cast %rsqrt3A : vector<2000x1xf32> to vector<2000x1xf32>
    %broadcast_in_dim3A_29 = vector.broadcast %broadcast_in_dim3A : vector<2000x1xf32> to vector<2000x16xf32>
    %swap3A_30 = arith.constant 0 : index
    %swap3A_31 = arith.constant 0 : index
    %swap3A_32 = vector.load %arg5[%swap3A_30, %swap3A_31] : memref<2000x16xf32, #tpu.memory_space<vmem>>, vector<2000x16xf32>
    tpu.vector_store %arg5[%swap3A_30, %swap3A_31], %broadcast_in_dim3A_29 {strides = array<i32>} : memref<2000x16xf32, #tpu.memory_space<vmem>>, vector<2000x16xf32>,
    return
  }
  func.func @transform_0(%arg0: i32) -> (i32, i32, i32) {
    %c0_i32 = arith.constant 0 : i32
    %c0_i32_0 = arith.constant 0 : i32
    %c0_i32_1 = arith.constant 0 : i32
    return %c0_i32, %arg0, %c0_i32_0 : i32, i32, i32
  }
  func.func @transform_1(%arg0: i32) -> (i32, i32) {
    %c0_i32 = arith.constant 0 : i32
    %c0_i32_0 = arith.constant 0 : i32
    return %arg0, %c0_i32 : i32, i32
  }
  func.func @transform_2(%arg0: i32) -> (i32, i32) {
    %c0_i32 = arith.constant 0 : i32
    %c0_i32_0 = arith.constant 0 : i32
    %c0_i32_1 = arith.constant 0 : i32
    return %c0_i32, %c0_i32_0 : i32, i32
  }
  func.func @transform_3(%arg0: i32) -> (i32, i32, i32) {
    %c0_i32 = arith.constant 0 : i32
    %c0_i32_0 = arith.constant 0 : i32
    %c0_i32_1 = arith.constant 0 : i32
    return %c0_i32, %arg0, %c0_i32_0 : i32, i32, i32
  }
  func.func @transform_4(%arg0: i32) -> (i32, i32) {
    %c0_i32 = arith.constant 0 : i32
    %c0_i32_0 = arith.constant 0 : i32
    return %arg0, %c0_i32 : i32, i32
  }
}

module attributes {stable_mosaic.version = 14 : i64} {
  func.func @body(%arg0: i32, %arg1: memref<2x2000x64xf32, #tpu.memory_space<vmem>>, %arg2: memref<2x2000x64xf32, #tpu.memory_space<vmem>>, %arg3: memref<2000x16xf32, #tpu.memory_space<vmem>>, %arg4: memref<1x128xf32, #tpu.memory_space<vmem>>, %arg5: memref<128x64xf32, #tpu.memory_space<vmem>>, %arg6: memref<2x2000x32xf32, #tpu.memory_space<vmem>>) attributes {dimension_semantics = [#tpu.dimension_semantics<arbitrary>], iteration_bounds = array<i64: 5>, scalar_prefetch = 0 : i64, scratch_operands = 0 : i64, tpu.core_type = #tpu.core_type<tc>, window_params = [{transform_indices = @transform_0, window_bounds = array<i64: 2, 2000, 64>}, {transform_indices = @transform_1, window_bounds = array<i64: 2, 2000, 64>}, {transform_indices = @transform_2, window_bounds = array<i64: 2000, 16>}, {pipeline_mode = #tpu.pipeline_mode<synchronous>, transform_indices = @transform_3, window_bounds = array<i64: 1, 128>}, {pipeline_mode = #tpu.pipeline_mode<synchronous>, transform_indices = @transform_4, window_bounds = array<i64: 128, 64>}, {transform_indices = @transform_5, window_bounds = array<i64: 2, 2000, 32>}]} {
    %get3A = arith.constant 0 : index
    %get3A_0 = arith.constant 0 : index
    %get3A_1 = arith.constant 0 : index
    %get3A_2 = vector.load %arg1[%get3A, %get3A_0, %get3A_1] : memref<2x2000x64xf32, #tpu.memory_space<vmem>>, vector<2x2000x64xf32>
    %get3A_3 = arith.constant 0 : index
    %get3A_4 = arith.constant 0 : index
    %get3A_5 = arith.constant 0 : index
    %get3A_6 = vector.load %arg2[%get3A_3, %get3A_4, %get3A_5] : memref<2x2000x64xf32, #tpu.memory_space<vmem>>, vector<2x2000x64xf32>
    %slice3A = vector.extract_strided_slice %get3A_2 {offsets = [0, 0, 0], sizes = [1, 2000, 64], strides = [1, 1, 1]} : vector<2x2000x64xf32> to vector<1x2000x64xf32>
    %squeeze3A = vector.shape_cast %slice3A : vector<1x2000x64xf32> to vector<2000x64xf32>
    %slice3A_7 = vector.extract_strided_slice %get3A_6 {offsets = [0, 0, 0], sizes = [1, 2000, 64], strides = [1, 1, 1]} : vector<2x2000x64xf32> to vector<1x2000x64xf32>
    %squeeze3A_8 = vector.shape_cast %slice3A_7 : vector<1x2000x64xf32> to vector<2000x64xf32>
    %add3A = arith.addf %squeeze3A, %squeeze3A_8 : vector<2000x64xf32>
    %slice3A_9 = vector.extract_strided_slice %get3A_2 {offsets = [1, 0, 0], sizes = [1, 2000, 64], strides = [1, 1, 1]} : vector<2x2000x64xf32> to vector<1x2000x64xf32>
    %squeeze3A_10 = vector.shape_cast %slice3A_9 : vector<1x2000x64xf32> to vector<2000x64xf32>
    %slice3A_11 = vector.extract_strided_slice %get3A_6 {offsets = [1, 0, 0], sizes = [1, 2000, 64], strides = [1, 1, 1]} : vector<2x2000x64xf32> to vector<1x2000x64xf32>
    %squeeze3A_12 = vector.shape_cast %slice3A_11 : vector<1x2000x64xf32> to vector<2000x64xf32>
    %add3A_13 = arith.addf %squeeze3A_10, %squeeze3A_12 : vector<2000x64xf32>
    %concatenate3A = tpu.concatenate %add3A, %add3A_13 in 1 : vector<2000x64xf32>, vector<2000x64xf32> -> vector<2000x128xf32>
    %get3A_14 = arith.constant 0 : index
    %get3A_15 = arith.constant 0 : index
    %get3A_16 = vector.load %arg3[%get3A_14, %get3A_15] : memref<2000x16xf32, #tpu.memory_space<vmem>>, vector<2000x16xf32>
    %slice3A_17 = vector.extract_strided_slice %get3A_16 {offsets = [0, 0], sizes = [2000, 1], strides = [1, 1]} : vector<2000x16xf32> to vector<2000x1xf32>
    %mul3A = vector.broadcast %slice3A_17 : vector<2000x1xf32> to vector<2000x128xf32>
    %mul3A_18 = arith.mulf %mul3A, %concatenate3A : vector<2000x128xf32>
    %get3A_19 = arith.constant 0 : index
    %get3A_20 = arith.constant 0 : index
    %get3A_21 = vector.load %arg4[%get3A_19, %get3A_20] : memref<1x128xf32, #tpu.memory_space<vmem>>, vector<1x128xf32>
    %add3A_22 = vector.broadcast %get3A_21 : vector<1x128xf32> to vector<2000x128xf32>
    %add3A_23 = arith.addf %mul3A_18, %add3A_22 : vector<2000x128xf32>
    %max3A = arith.constant 0.000000e+00 : f32
    %max3A_24 = vector.broadcast %max3A : f32 to vector<2000x128xf32>
    %max3A_25 = arith.maximumf %add3A_23, %max3A_24 : vector<2000x128xf32>
    %get3A_26 = arith.constant 0 : index
    %get3A_27 = arith.constant 0 : index
    %get3A_28 = vector.load %arg5[%get3A_26, %get3A_27] : memref<128x64xf32, #tpu.memory_space<vmem>>, vector<128x64xf32>
    %dot_general3A = arith.constant dense<0.000000e+00> : vector<2000x64xf32>
    %dot_general3A_29 = tpu.matmul %max3A_25, %get3A_28, %dot_general3A {dimension_numbers = #tpu.dot_dimension_numbers<[1], [0], [0], [1], [0, 0, 1, 1], [], []>, transpose_lhs_hint = false} : vector<2000x128xf32>, vector<128x64xf32>, vector<2000x64xf32> -> vector<2000x64xf32>
    %mul3A_30 = vector.broadcast %slice3A_17 : vector<2000x1xf32> to vector<2000x64xf32>
    %mul3A_31 = arith.mulf %mul3A_30, %dot_general3A_29 : vector<2000x64xf32>
    %slice3A_32 = vector.extract_strided_slice %mul3A_31 {offsets = [0, 0], sizes = [2000, 32], strides = [1, 1]} : vector<2000x64xf32> to vector<2000x32xf32>
    %swap3A = arith.constant 0 : index
    %swap3A_33 = arith.constant 0 : index
    %swap3A_34 = arith.constant 0 : index
    %swap3A_35 = vector.load %arg6[%swap3A, %swap3A_33, %swap3A_34] : memref<2x2000x32xf32, #tpu.memory_space<vmem>>, vector<1x2000x32xf32>
    %swap3A_36 = vector.shape_cast %swap3A_35 : vector<1x2000x32xf32> to vector<2000x32xf32>
    %swap3A_37 = vector.shape_cast %slice3A_32 : vector<2000x32xf32> to vector<1x2000x32xf32>
    tpu.vector_store %arg6[%swap3A, %swap3A_33, %swap3A_34], %swap3A_37 {strides = array<i32>} : memref<2x2000x32xf32, #tpu.memory_space<vmem>>, vector<1x2000x32xf32>,
    %slice3A_38 = vector.extract_strided_slice %mul3A_31 {offsets = [0, 32], sizes = [2000, 32], strides = [1, 1]} : vector<2000x64xf32> to vector<2000x32xf32>
    %swap3A_39 = arith.constant 1 : index
    %swap3A_40 = arith.constant 0 : index
    %swap3A_41 = arith.constant 0 : index
    %swap3A_42 = vector.load %arg6[%swap3A_39, %swap3A_40, %swap3A_41] : memref<2x2000x32xf32, #tpu.memory_space<vmem>>, vector<1x2000x32xf32>
    %swap3A_43 = vector.shape_cast %swap3A_42 : vector<1x2000x32xf32> to vector<2000x32xf32>
    %swap3A_44 = vector.shape_cast %slice3A_38 : vector<2000x32xf32> to vector<1x2000x32xf32>
    tpu.vector_store %arg6[%swap3A_39, %swap3A_40, %swap3A_41], %swap3A_44 {strides = array<i32>} : memref<2x2000x32xf32, #tpu.memory_space<vmem>>, vector<1x2000x32xf32>,
    return
  }
  func.func @transform_0(%arg0: i32) -> (i32, i32, i32) {
    %c0_i32 = arith.constant 0 : i32
    %c0_i32_0 = arith.constant 0 : i32
    %c0_i32_1 = arith.constant 0 : i32
    return %c0_i32, %arg0, %c0_i32_0 : i32, i32, i32
  }
  func.func @transform_1(%arg0: i32) -> (i32, i32, i32) {
    %c0_i32 = arith.constant 0 : i32
    %c0_i32_0 = arith.constant 0 : i32
    %c0_i32_1 = arith.constant 0 : i32
    return %c0_i32, %arg0, %c0_i32_0 : i32, i32, i32
  }
  func.func @transform_2(%arg0: i32) -> (i32, i32) {
    %c0_i32 = arith.constant 0 : i32
    %c0_i32_0 = arith.constant 0 : i32
    return %arg0, %c0_i32 : i32, i32
  }
  func.func @transform_3(%arg0: i32) -> (i32, i32) {
    %c0_i32 = arith.constant 0 : i32
    %c0_i32_0 = arith.constant 0 : i32
    %c0_i32_1 = arith.constant 0 : i32
    return %c0_i32, %c0_i32_0 : i32, i32
  }
  func.func @transform_4(%arg0: i32) -> (i32, i32) {
    %c0_i32 = arith.constant 0 : i32
    %c0_i32_0 = arith.constant 0 : i32
    %c0_i32_1 = arith.constant 0 : i32
    return %c0_i32, %c0_i32_0 : i32, i32
  }
  func.func @transform_5(%arg0: i32) -> (i32, i32, i32) {
    %c0_i32 = arith.constant 0 : i32
    %c0_i32_0 = arith.constant 0 : i32
    %c0_i32_1 = arith.constant 0 : i32
    return %c0_i32, %arg0, %c0_i32_0 : i32, i32, i32
  }
}

</mosaic_0001>

<sc_bundles>
// kernel: kernel.10.cloned.1.call-start
scs
__scs_entry_jumppad:
0x0: {  	(pc) =	sbr.rel $0x88, $3  }
0x1: {  	(tag) =	ssettag $0x0;
	lr =	simm.s32 $0x1  }
0x2: {  	[smem:$0x3F9B] =	sst lr;
	_ =	strace $0xD0000000  }
0x3: {  	_ = 	snop  }
0x4: {  	_ = 	snop  }
0x5: {  	_ = 	snop  }
0x6: {  	_ = 	snop  }
0x7: {  	_ = 	snop  }
__scs_overlays_trampoline_lowered:
0x8: {  	[smem:$0x3FAA] =	sst s0  }
0x9: {  	[smem:$0x3FAB] =	sst s1  }
0xa: {  	[smem:$0x3FAC] =	sst s2  }
0xb: {  	[smem:$0x3FAD] =	sst s3  }
0xc: {  	[smem:$0x3FAE] =	sst s4  }
0xd: {  	[smem:$0x3FAF] =	sst s5  }
0xe: {  	[smem:$0x3FB0] =	sst s6  }
0xf: {  	[smem:$0x3FB1] =	sst s7  }
0x10: {  	[smem:$0x3FB2] =	sst s8  }
0x11: {  	[smem:$0x3FB3] =	sst s9;
	s0 =	simm.s32 @!p0 $0x0  }
0x12: {  	s1 =	sld [smem:$0x3F99];
	s0 =	simm.s32 @p0 $0x1  }
0x13: {  	[smem:$0x3FB4] =	sst s0;
	s0 =	simm.s32 @!p1 $0x0  }
0x14: {  	s2 =	sld [smem:$0x3F98];
	s0 =	simm.s32 @p1 $0x1  }
0x15: {  	[smem:$0x3FB5] =	sst s0;
	s0 =	simm.s32 @!p2 $0x0  }
0x16: {  	s3 =	sld [smem:$0x3FDB];
	s0 =	simm.s32 @p2 $0x1  }
0x17: {  	s4 =	simm.s32 $0x1BF5;
	[smem:$0x3FB7] =	sst s0  }
0x18: {  	s0 =	sld [smem:$0x3F9A];
	_ =	swait.ge [sflag:s4], $0x0  }
0x19: {  	s7 =	sld [smem:$0x3F9B]  }
0x1a: {  	s8 =	sadd.s32 $0xFFFFE003, lr  }
0x1b: {  	s9 =	sadd.s32 $0xFFFFFEF7, lr;
	s5 =	simm.s32 $0xFFFFFFFF;
	p2 =	slt.u32 s8, $0xFFFFF086  }
0x1c: {  	p1 =	slt.u32 s9, $0xF7A;
	s5 =	simm.s32 @!p2 $0x0  }
0x1d: {  	s5 =	simm.s32 @p1 $0x1;
	p0 =	seq.s32 s7, s2  }
0x1e: {  	s7 =	smul.u32 @!p0 $0xF7A, s2;
	p2 =	seq.s32 @!p0 s5, $0x0  }
0x1f: {  	s9 =	smul.u32 $0xF7A, s1;
	s8 =	simm.s32 @!p0 $0x1BF5;
	p2 =	por !p2, p0  }
0x20: {  	[sflag:s8] =	ssyncset.s32 @!p0 $0xFFFFF086;
	s6 =	sadd.s32 @!p0 s3, s7;
	s7 =	simm.s32 @!p0 $0x108  }
0x21: {  	s3 =	sadd.s32 s3, s9;
	s6 =	sadd.s32 @!p0 $0x88, s6;
	s7 =	simm.s32 @p2 $0x1082  }
0x22: {  	[simem:s7], [sflag:s8] =	dma.local @!p0 [hbm:s6], $0xF7A  }
0x23: {  	s9 =	sor.u32 $0xD0000000, s2;
	s6 =	simm.s32 $0x108;
	_ =	swait.ge @!p0 [sflag:s8], $0x0  }
0x24: {  	s3 =	sadd.s32 $0x88, s3;
	s6 =	simm.s32 @!p1 $0x1082;
	[sflag:s4] =	ssyncset.s32 $0xFFFFF086  }
0x25: {  	[simem:s6], [sflag:s4] =	dma.local [hbm:s3], $0xF7A  }
0x26: {  	[smem:$0x3F9B] =	sst s1;
	(tag) =	ssettag s2;
	_ =	strace s9  }
0x27: {  	s1 =	sld [smem:$0x3FAB]  }
0x28: {  	s2 =	sld [smem:$0x3FAC]  }
0x29: {  	s4 =	sld [smem:$0x3FAE]  }
0x2a: {  	p0 =	seq.s32 s5, $0x0;
	s5 =	sld [smem:$0x3FAF]  }
0x2b: {  	s6 =	sld [smem:$0x3FB0]  }
0x2c: {  	s7 =	sld [smem:$0x3FB1]  }
0x2d: {  	s3 =	simm.s32 $0x108;
	s8 =	sld [smem:$0x3FB2]  }
0x2e: {  	s3 =	simm.s32 @!p0 $0x1082;
	s9 =	sld [smem:$0x3FB3]  }
0x2f: {  	lr =	sadd.s32 s0, s3;
	s0 =	sld [smem:$0x3FAA]  }
0x30: {  	s3 =	sld [smem:$0x3FAD]  }
0x31: {  	[smem:$0x3FB6] =	sst s10  }
0x32: {  	s10 =	sld [smem:$0x3FB4];
	_ =	sdelay $0x3  }
0x33: {  	p0 =	seq.s32 s10, $0x1;
	s10 =	sld [smem:$0x3FB6];
	_ =	sdelay $0x3  }
0x34: {  	[smem:$0x3FB6] =	sst s10  }
0x35: {  	s10 =	sld [smem:$0x3FB5];
	_ =	sdelay $0x3  }
0x36: {  	p1 =	seq.s32 s10, $0x1;
	s10 =	sld [smem:$0x3FB6];
	_ =	sdelay $0x3  }
0x37: {  	[smem:$0x3FB6] =	sst s10  }
0x38: {  	s10 =	sld [smem:$0x3FB7]  }
0x39: {  	_ = 	snop;
	(pc) =	sbr.ind lr, $3  }
0x3a: {  	_ = 	snop  }
0x3b: {  	_ = 	snop  }
0x3c: {  	p2 =	seq.s32 s10, $0x1;
	s10 =	sld [smem:$0x3FB6]  }
0x3d: {  	_ =	shalt  }
0x3e: {  	_ =	shalt  }
0x3f: {  	_ =	shalt  }
0x40: {  	_ =	shalt  }
0x41: {  	_ =	shalt  }
0x42: {  	_ =	shalt  }
0x43: {  	_ =	shalt  }
0x44: {  	_ =	shalt  }
0x45: {  	_ =	shalt  }
0x46: {  	_ =	shalt  }
0x47: {  	_ =	shalt  }
0x48: {  	_ =	shalt  }
0x49: {  	_ =	shalt  }
0x4a: {  	_ =	shalt  }
0x4b: {  	_ =	shalt  }
0x4c: {  	_ =	shalt  }
0x4d: {  	_ =	shalt  }
0x4e: {  	_ =	shalt  }
0x4f: {  	_ =	shalt  }
0x50: {  	_ =	shalt  }
0x51: {  	_ =	shalt  }
0x52: {  	_ =	shalt  }
0x53: {  	_ =	shalt  }
0x54: {  	_ =	shalt  }
0x55: {  	_ =	shalt  }
0x56: {  	_ =	shalt  }
0x57: {  	_ =	shalt  }
0x58: {  	_ =	shalt  }
0x59: {  	_ =	shalt  }
0x5a: {  	_ =	shalt  }
0x5b: {  	_ =	shalt  }
0x5c: {  	_ =	shalt  }
0x5d: {  	_ =	shalt  }
0x5e: {  	_ =	shalt  }
0x5f: {  	_ =	shalt  }
0x60: {  	_ =	shalt  }
0x61: {  	_ =	shalt  }
0x62: {  	_ =	shalt  }
0x63: {  	_ =	shalt  }
0x64: {  	_ =	shalt  }
0x65: {  	_ =	shalt  }
0x66: {  	_ =	shalt  }
0x67: {  	_ =	shalt  }
0x68: {  	_ =	shalt  }
0x69: {  	_ =	shalt  }
0x6a: {  	_ =	shalt  }
0x6b: {  	_ =	shalt  }
0x6c: {  	_ =	shalt  }
0x6d: {  	_ =	shalt  }
0x6e: {  	_ =	shalt  }
0x6f: {  	_ =	shalt  }
0x70: {  	_ =	shalt  }
0x71: {  	_ =	shalt  }
0x72: {  	_ =	shalt  }
0x73: {  	_ =	shalt  }
0x74: {  	_ =	shalt  }
0x75: {  	_ =	shalt  }
0x76: {  	_ =	shalt  }
0x77: {  	_ =	shalt  }
0x78: {  	_ =	shalt  }
0x79: {  	_ =	shalt  }
0x7a: {  	_ =	shalt  }
0x7b: {  	_ =	shalt  }
0x7c: {  	_ =	shalt  }
0x7d: {  	_ =	shalt  }
0x7e: {  	_ =	shalt  }
0x7f: {  	_ =	shalt  }
0x80: {  	_ =	shalt  }
0x81: {  	_ =	shalt  }
0x82: {  	_ =	shalt  }
0x83: {  	_ =	shalt  }
0x84: {  	_ =	shalt  }
0x85: {  	_ =	shalt  }
0x86: {  	_ =	shalt  }
0x87: {  	_ =	shalt  }
.Lfunc_end0:
.L_simem_size_0:
called_computation.1_lowered:
.L_overlay_start_0:
0x88: {  	s2 =	sld [smem:$0x3FD9]  }
0x89: {  	s3 =	sld [smem:$0x3FFE];
	_ =	sdelay $0x1  }
0x8a: {  	s1 =	srdreg.scid  }
0x8b: {  	s0 =	sand.u32 $0x1, s1  }
0x8c: {  	s16 =	sshll.u32 s0, $0xA;
	s2 =	sadd.s32 s3, s2  }
0x8d: {  	s2 =	sadd.s32 s2, s16  }
0x8e: {  	[smem:$0x3FC2] =	sst s2  }
0x8f: {  	_ = 	snop  }
0x90: {  	(tm) =	ssettm $0x1  }
0x91: {  	s17 =	sld [smem:$0x3FFB];
	_ =	sdelay $0x3  }
0x92: {  	_ =	strace s17  }
0x93: {  	s2 =	sld [smem:$0x3FFC];
	_ =	sdelay $0x3  }
0x94: {  	_ =	strace s2  }
0x95: {  	s2 =	sld [smem:$0x3FFD];
	_ =	sdelay $0x3  }
0x96: {  	_ =	strace s2  }
0x97: {  	_ =	strace $0x8FFFFFFF  }
0x98: {  	s18 =	sld [smem:$0x3FDB];
	_ =	sdelay $0x1  }
0x99: {  	s19 =	simm.s32 $_scs_section_size  }
0x9a: {  	s4 =	simm.s32 $_size__tile_overlayer_lowered;
	s5 =	simm.s32 $_tile_overlayer_lowered  }
0x9b: {  	s22 =	simm.s32 $0x1BFF;
	s21 =	sshll.u32 s5, $0x1;
	s2 =	sadd.s32 s19, s18  }
0x9c: {  	s6 =	simm.s32 $0x0;
	s20 =	sshll.u32 s4, $0x1;
	s4 =	sadd.s32 s21, s2  }
0x9d: {  	[timem:s6], [sflag:s22] =	dma.local [hbm:s4], s20  }
0x9e: {  	_ =	swait.ge [sflag:s22], s20  }
0x9f: {  	s3 =	ssub.s32 $0x0, s20;
	[sflag:s22] =	ssyncset.done $0x0  }
0xa0: {  	[sflag:s22] =	ssyncadd.s32 s3;
	_ =	sdelay $0x1  }
0xa1: {  	s23 =	simm.s32 $0x1B8B  }
0xa2: {  	_ =	swait.ge [sflag:s23], $0x1  }
0xa3: {  	[sflag:s23] =	ssyncset.done $0x0  }
0xa4: {  	s25 =	simm.s32 $0x1B8E;
	s24 =	sld [smem:$0x3FFE];
	[sflag:s23] =	ssyncadd.s32 $0xFFFFFFFF  }
0xa5: {  	s26 =	simm.s32 $execute0_lowered;
	[smem:$0x3FD2] =	sst s25  }
0xa6: {  	s4 =	sshll.u32 s26, $0x1;
	_ =	strace $0x80000049;
	[dreg:$0x1] =	wrdreg $0xFFFFFFFF  }
0xa7: {  	s28 =	simm.s32 $_size_execute0_lowered;
	s2 =	sadd.s32 s2, s4;
	[dreg:$0x0] =	wrdreg $0x0  }
0xa8: {  	s4 =	sshll.u32 s28, $0x1;
	[dreg:$0x2] =	wrdreg s2  }
0xa9: {  	[dreg:$0x3] =	wrdreg s4  }
0xaa: {  	[dreg:$0x4] =	wrdreg $0xC0  }
0xab: {  	_ =	task [dreg:s6], $0x5FFFF  }
0xac: {  	[dreg:$0x1] =	wrdreg $0xFFFFFFFF  }
0xad: {  	[dreg:$0x0] =	wrdreg $0x60  }
0xae: {  	[dreg:$0x2] =	wrdreg s24  }
0xaf: {  	[dreg:$0x3] =	wrdreg $0xC4400  }
0xb0: {  	[dreg:$0x4] =	wrdreg $0x9  }
0xb1: {  	_ =	task.clear_ibuf [dreg:s6], $0x5FFFF;
	_ =	strace $0x90000049  }
0xb2: {  	s29 =	simm.s32 $0x9;
	_ =	strace $0x8000004B  }
0xb3: {  	_ =	swait.ge [sflag:s29], $0x1  }
0xb4: {  	[sflag:s29] =	ssyncadd.s32 $0xFFFFFFFF  }
0xb5: {  	_ =	strace $0x9000004B  }
0xb6: {  	_ =	sfence  }
0xb7: {  	s30 =	sld [smem:$0x0];
	_ =	sdelay $0x2  }
0xb8: {  	s31 =	sshll.u32 s1, $0xD;
	s1 =	sshrl.u32 s1, $0x2  }
0xb9: {  	s3 =	sand.u32 $0x4000, s31;
	s1 =	sadd.s32 s1, s30  }
0xba: {  	s0 =	sor.u32 s3, s0;
	s1 =	sshll.u32 s1, $0x11  }
0xbb: {  	s0 =	sor.u32 s1, s0  }
0xbc: {  	s0 =	sadd.s32 $0x8F2B, s0  }
0xbd: {  	[sflag:s0] =	ssyncadd.remote.s32 $0x1  }
0xbe: {  	_ =	sfence.sel $0xFFFF  }
0xbf: {  	[dreg:$0x0] =	wrdreg $0xFFFFFFFF;
	(pc) =	sbr.abs _section_cstart, $3  }
0xc0: {  	[dreg:$0x1] =	wrdreg $0xFFFFFFFF  }
0xc1: {  	_ =	task.clear_ibuf [dreg:s6], $0x2FFFF;
	_ =	strace $0x9FFFFFFF  }
0xc2: {  	(tm) =	ssettm $0x7FFFFFFF  }
0xc3: {  	_ =	shalt  }
tec
execute0_lowered:
.L_overlay_start_1:
0x0: {  	(tag) =	ssettag $0x1  }
0x1: {  	s0 =	srdreg.scid;
	s4 =	rddreg [dreg:$0x0]  }
0x2: {  	s2 =	rddreg [dreg:$0x1];
	s29 =	stileid.u32;
	s3 =	simm.s32 $0x0  }
0x3: {  	s17 =	simm.s32 $0x9C40;
	s18 =	simm.s32 $0x3;
	s19 =	simm.s32 $0x4E20  }
0x4: {  	s20 =	simm.s32 $0x50;
	s21 =	simm.s32 $0xB040;
	s8 =	smul.u32 $0xA000, s29  }
0x5: {  	s22 =	simm.s32 $0x1;
	s23 =	simm.s32 $0x2;
	s9 =	smul.u32 $0x9C4, s29  }
0x6: {  	s24 =	simm.s32 $0x4DD0;
	s5 =	sand.u32 $0x1, s0;
	s10 =	smul.u32 $0x28000, s29  }
0x7: {  	s26 =	simm.s32 $0x9BA0;
	s28 =	simm.s32 $0x9BF0;
	s6 =	smul.u32 $0x13880, s5  }
0x8: {  	[smem:$0x7FF] =	sst s3;
	s7 =	smul.u32 $0xA0000, s5;
	s5 =	ssub.s32 $0x2, s5  }
0x9: {  	_ =	strace $0x8000004A;
	s9 =	sadd.s32 s9, s4;
	s30 =	sshrl.u32 s5, $0x1  }
0xa: {  	s31 =	sshrl.u32 s10, $0x2;
	s25 =	sadd.s32 s8, s2;
	s6 =	sadd.s32 s6, s4  }
0xb: {  	s7 =	sadd.s32 s8, s7;
	s11 =	ssub.s32 s5, s30;
	s5 =	sadd.s32 $0xB800, s9  }
0xc: {  	s25 =	sshrl.u32 s25, $0x3;
	s7 =	sshrl.u32 s7, $0x3;
	s6 =	sadd.s32 $0x8B800, s6  }
0xd: {  	s7 =	sadd.s32 s7, s4;
	s4 =	sadd.s32 $0x1A00, s9;
	s9 =	sadd.s32 s31, s2  }
0xe: {  	s8 =	smax.u32 s11, $0x1;
	s7 =	sadd.s32 $0xB2A00, s7;
	s10 =	sadd.s32 $0x1400, s9  }
0xf: {  	s11 =	sadd.s32 $0x2800, s9;
	s12 =	sadd.s32 $0x3C00, s9;
	s13 =	sadd.s32 $0x5000, s9  }
0x10: {  	v0 =	vimm.f32 $0.0e+00;
	s14 =	sadd.s32 $0x6400, s9;
	s15 =	sadd.s32 $0x7800, s9;
	s16 =	sadd.s32 $0x8C00, s9  }
.LBB2_1:
0x11: {  	s30 =	simm.s32 $0x100;
	s29 =	simm.s32 $0x0  }
.LBB2_2:
0x12: {  	p0 =	sne.s32 s30, $0x4F00;
	[tilespmem:s29+$0x9C70] =	vst v0;
	s31 =	smov.u32 s30;
	s30 =	sadd.s32 $0x100, s30  }
.Ltmp0:
0x13: {  	[tilespmem:s29+$0x9C60] =	vst v0;
	(pc) =	sbr.rel @p0 .LBB2_2-.Ltmp0, $3  }
0x14: {  	[tilespmem:s29+$0x9C40] =	vst v0  }
0x15: {  	[tilespmem:s29+$0x9C50] =	vst v0;
	_ =	sdelay $0x1  }
0x16: {  	s29 =	sshra.s32 s31, $0x2  }
0x17: {  	[tilespmem:s29+$0x9C70] =	vst v0  }
0x18: {  	[tilespmem:s29+$0x9C60] =	vst v0  }
0x19: {  	[tilespmem:s29+$0x9C40] =	vst v0  }
0x1a: {  	[tilespmem:s29+$0x9C50] =	vst v0  }
0x1b: {  	[spmem:s9] =	stream.linear.scatter [tilespmem:s17], [sflag:$0x3], $0x1400, $0x38;
	[tilespmem:$0x16440] =	vst v63  }
0x1c: {  	_ =	swait.ge [sflag:s18], $0x1400  }
0x1d: {  	[sflag:s18] =	ssyncset.done $0x0  }
0x1e: {  	[sflag:s18] =	ssyncadd.s32 $0xFFFFEC00  }
0x1f: {  	[spmem:s10] =	stream.linear.scatter [tilespmem:s17], [sflag:$0x3], $0x1400, $0x38;
	[tilespmem:$0x16440] =	vst v63  }
0x20: {  	_ =	swait.ge [sflag:s18], $0x1400  }
0x21: {  	[sflag:s18] =	ssyncset.done $0x0  }
0x22: {  	[sflag:s18] =	ssyncadd.s32 $0xFFFFEC00  }
0x23: {  	[spmem:s11] =	stream.linear.scatter [tilespmem:s17], [sflag:$0x3], $0x1400, $0x38;
	[tilespmem:$0x16440] =	vst v63  }
0x24: {  	_ =	swait.ge [sflag:s18], $0x1400  }
0x25: {  	[sflag:s18] =	ssyncset.done $0x0  }
0x26: {  	[sflag:s18] =	ssyncadd.s32 $0xFFFFEC00  }
0x27: {  	[spmem:s12] =	stream.linear.scatter [tilespmem:s17], [sflag:$0x3], $0x1400, $0x38;
	[tilespmem:$0x16440] =	vst v63  }
0x28: {  	_ =	swait.ge [sflag:s18], $0x1400  }
0x29: {  	[sflag:s18] =	ssyncset.done $0x0  }
0x2a: {  	[sflag:s18] =	ssyncadd.s32 $0xFFFFEC00  }
0x2b: {  	[spmem:s13] =	stream.linear.scatter [tilespmem:s17], [sflag:$0x3], $0x1400, $0x38;
	[tilespmem:$0x16440] =	vst v63  }
0x2c: {  	_ =	swait.ge [sflag:s18], $0x1400  }
0x2d: {  	[sflag:s18] =	ssyncset.done $0x0  }
0x2e: {  	[sflag:s18] =	ssyncadd.s32 $0xFFFFEC00  }
0x2f: {  	[spmem:s14] =	stream.linear.scatter [tilespmem:s17], [sflag:$0x3], $0x1400, $0x38;
	[tilespmem:$0x16440] =	vst v63  }
0x30: {  	_ =	swait.ge [sflag:s18], $0x1400  }
0x31: {  	[sflag:s18] =	ssyncset.done $0x0  }
0x32: {  	[sflag:s18] =	ssyncadd.s32 $0xFFFFEC00  }
0x33: {  	[spmem:s15] =	stream.linear.scatter [tilespmem:s17], [sflag:$0x3], $0x1400, $0x38;
	[tilespmem:$0x16440] =	vst v63  }
0x34: {  	_ =	swait.ge [sflag:s18], $0x1400  }
0x35: {  	[sflag:s18] =	ssyncset.done $0x0  }
0x36: {  	[sflag:s18] =	ssyncadd.s32 $0xFFFFEC00  }
0x37: {  	[spmem:s16] =	stream.linear.scatter [tilespmem:s17], [sflag:$0x3], $0x1400, $0x38;
	[tilespmem:$0x16440] =	vst v63  }
0x38: {  	_ =	swait.ge [sflag:s18], $0x1400  }
0x39: {  	[sflag:s18] =	ssyncset.done $0x0  }
0x3a: {  	s29 =	simm.s32 $0x0;
	[sflag:s18] =	ssyncadd.s32 $0xFFFFEC00  }
0x3b: {  	[tilespmem:s29], [sflag:$0x3] =	stream.linear.gather [hbm4b:s4+s29], $0x4E20, $0x38;
	[tilespmem:$0x16440] =	vst v63  }
0x3c: {  	_ =	swait.ge [sflag:s18], $0x4E20  }
0x3d: {  	[sflag:s18] =	ssyncset.done $0x0  }
0x3e: {  	[sflag:s18] =	ssyncadd.s32 $0xFFFFB1E0  }
0x3f: {  	[tilespmem:s19], [sflag:$0x3] =	stream.linear.gather [hbm4b:s5+s29], $0x4E20, $0x38;
	[tilespmem:$0x16440] =	vst v63  }
0x40: {  	_ =	swait.ge [sflag:s18], $0x4E20  }
0x41: {  	[sflag:s18] =	ssyncset.done $0x0  }
0x42: {  	[sflag:s18] =	ssyncadd.s32 $0xFFFFB1E0  }
0x43: {  	[bflag:$0x0] =	sbarrier.arrive $0xFFFF  }
0x44: {  	[tilespmem:s17], [sflag:$0x1] =	stream.indirect.gather [hbm4b:s6+s20], $0x40, s29, s20, $0xb8;
	[tilespmem:$0x16440] =	vst v63  }
0x45: {  	s29 =	simm.s32 $0x50  }
0x46: {  	[tilespmem:s21], [sflag:$0x2] =	stream.indirect.gather [hbm4b:s6+s20], $0x40, s29, s20, $0xb8;
	[tilespmem:$0x16440] =	vst v63  }
0x47: {  	_ =	swait.ge [sflag:s22], $0x1400  }
0x48: {  	[sflag:s22] =	ssyncset.done $0x0  }
0x49: {  	s29 =	simm.s32 $0x4E20;
	[sflag:s22] =	ssyncadd.s32 $0xFFFFEC00  }
0x4a: {  	[spmem:s2] =	stream.indirect.scatter.add.f32 [tilespmem:s17], [sflag:$0x3], $0x40, s29, s20, $0xb8;
	[tilespmem:$0x16440] =	vst v63  }
0x4b: {  	_ =	swait.ge [sflag:s18], $0x1400  }
0x4c: {  	[sflag:s18] =	ssyncset.done $0x0  }
0x4d: {  	s29 =	simm.s32 $0xA0;
	[sflag:s18] =	ssyncadd.s32 $0xFFFFEC00  }
0x4e: {  	[tilespmem:s17], [sflag:$0x1] =	stream.indirect.gather [hbm4b:s6+s20], $0x40, s29, s20, $0xb8;
	[tilespmem:$0x16440] =	vst v63  }
0x4f: {  	_ =	swait.ge [sflag:s23], $0x1400  }
0x50: {  	[sflag:s23] =	ssyncset.done $0x0  }
0x51: {  	s29 =	simm.s32 $0x4E70;
	[sflag:s23] =	ssyncadd.s32 $0xFFFFEC00  }
0x52: {  	[spmem:s2] =	stream.indirect.scatter.add.f32 [tilespmem:s21], [sflag:$0x3], $0x40, s29, s20, $0xb8;
	[tilespmem:$0x16440] =	vst v63  }
0x53: {  	_ =	swait.ge [sflag:s18], $0x1400  }
0x54: {  	s30 =	simm.s32 $0x500;
	s29 =	simm.s32 $0xA0;
	[sflag:s18] =	ssyncset.done $0x0  }
.LBB2_4:
0x55: {  	s31 =	sadd.s32 $0x50, s29  }
0x56: {  	[sflag:s18] =	ssyncadd.s32 $0xFFFFEC00;
	s0 =	smov.u32 s30;
	s1 =	sadd.s32 $0x280, s30  }
0x57: {  	[tilespmem:s21], [sflag:$0x2] =	stream.indirect.gather [hbm4b:s6+s20], $0x40, s31, s20, $0xb8;
	[tilespmem:$0x16440] =	vst v63  }
0x58: {  	p0 =	sne.s32 s30, $0x13380;
	_ =	swait.ge [sflag:s22], $0x1400  }
0x59: {  	[sflag:s22] =	ssyncset.done $0x0  }
0x5a: {  	s30 =	sadd.s32 $0x4E20, s29;
	[sflag:s22] =	ssyncadd.s32 $0xFFFFEC00  }
0x5b: {  	[spmem:s2] =	stream.indirect.scatter.add.f32 [tilespmem:s17], [sflag:$0x3], $0x40, s30, s20, $0xb8;
	[tilespmem:$0x16440] =	vst v63  }
0x5c: {  	_ =	swait.ge [sflag:s18], $0x1400  }
0x5d: {  	[sflag:s18] =	ssyncset.done $0x0  }
0x5e: {  	s30 =	sadd.s32 $0xA0, s29;
	[sflag:s18] =	ssyncadd.s32 $0xFFFFEC00  }
0x5f: {  	[tilespmem:s17], [sflag:$0x1] =	stream.indirect.gather [hbm4b:s6+s20], $0x40, s30, s20, $0xb8;
	[tilespmem:$0x16440] =	vst v63  }
0x60: {  	_ =	swait.ge [sflag:s23], $0x1400  }
.Ltmp1:
0x61: {  	[sflag:s23] =	ssyncset.done $0x0;
	(pc) =	sbr.rel @p0 .LBB2_4-.Ltmp1, $4  }
0x62: {  	s29 =	sadd.s32 $0x4E70, s29;
	[sflag:s23] =	ssyncadd.s32 $0xFFFFEC00  }
0x63: {  	[spmem:s2] =	stream.indirect.scatter.add.f32 [tilespmem:s21], [sflag:$0x3], $0x40, s29, s20, $0xb8;
	[tilespmem:$0x16440] =	vst v63  }
0x64: {  	_ =	swait.ge [sflag:s18], $0x1400  }
0x65: {  	s30 =	smov.u32 s1;
	s29 =	sshra.s32 s0, $0x2;
	[sflag:s18] =	ssyncset.done $0x0  }
0x66: {  	s0 =	sadd.s32 $0x50, s29;
	[sflag:s18] =	ssyncadd.s32 $0xFFFFEC00  }
0x67: {  	[tilespmem:s21], [sflag:$0x2] =	stream.indirect.gather [hbm4b:s6+s20], $0x40, s0, s20, $0xb8;
	[tilespmem:$0x16440] =	vst v63  }
0x68: {  	_ =	swait.ge [sflag:s22], $0x1400  }
0x69: {  	[sflag:s22] =	ssyncset.done $0x0  }
0x6a: {  	s31 =	sadd.s32 $0x4E20, s29;
	[sflag:s22] =	ssyncadd.s32 $0xFFFFEC00  }
0x6b: {  	[spmem:s2] =	stream.indirect.scatter.add.f32 [tilespmem:s17], [sflag:$0x3], $0x40, s31, s20, $0xb8;
	[tilespmem:$0x16440] =	vst v63  }
0x6c: {  	_ =	swait.ge [sflag:s18], $0x1400  }
0x6d: {  	[sflag:s18] =	ssyncset.done $0x0  }
0x6e: {  	s1 =	sadd.s32 $0xA0, s29;
	[sflag:s18] =	ssyncadd.s32 $0xFFFFEC00  }
0x6f: {  	[tilespmem:s17], [sflag:$0x1] =	stream.indirect.gather [hbm4b:s6+s20], $0x40, s1, s20, $0xb8;
	[tilespmem:$0x16440] =	vst v63  }
0x70: {  	_ =	swait.ge [sflag:s23], $0x1400  }
0x71: {  	[sflag:s23] =	ssyncset.done $0x0  }
0x72: {  	s30 =	sadd.s32 $0x4E70, s29;
	[sflag:s23] =	ssyncadd.s32 $0xFFFFEC00  }
0x73: {  	[spmem:s2] =	stream.indirect.scatter.add.f32 [tilespmem:s21], [sflag:$0x3], $0x40, s30, s20, $0xb8;
	[tilespmem:$0x16440] =	vst v63  }
0x74: {  	_ =	swait.ge [sflag:s18], $0x1400  }
0x75: {  	[sflag:s18] =	ssyncset.done $0x0  }
0x76: {  	[sflag:s18] =	ssyncadd.s32 $0xFFFFEC00  }
0x77: {  	[tilespmem:s21], [sflag:$0x2] =	stream.indirect.gather [hbm4b:s6+s20], $0x40, s24, s20, $0xb8;
	[tilespmem:$0x16440] =	vst v63  }
0x78: {  	_ =	swait.ge [sflag:s22], $0x1400  }
0x79: {  	[sflag:s22] =	ssyncset.done $0x0  }
0x7a: {  	[sflag:s22] =	ssyncadd.s32 $0xFFFFEC00  }
0x7b: {  	[spmem:s2] =	stream.indirect.scatter.add.f32 [tilespmem:s17], [sflag:$0x3], $0x40, s26, s20, $0xb8;
	[tilespmem:$0x16440] =	vst v63  }
0x7c: {  	_ =	swait.ge [sflag:s18], $0x1400  }
0x7d: {  	[sflag:s18] =	ssyncset.done $0x0  }
0x7e: {  	[sflag:s18] =	ssyncadd.s32 $0xFFFFEC00  }
0x7f: {  	_ =	swait.ge [sflag:s23], $0x1400  }
0x80: {  	[sflag:s23] =	ssyncset.done $0x0  }
0x81: {  	[sflag:s23] =	ssyncadd.s32 $0xFFFFEC00  }
0x82: {  	[spmem:s2] =	stream.indirect.scatter.add.f32 [tilespmem:s21], [sflag:$0x3], $0x40, s28, s20, $0xb8;
	[tilespmem:$0x16440] =	vst v63  }
0x83: {  	_ =	swait.ge [sflag:s18], $0x1400  }
0x84: {  	s3 =	sadd.s32 $0x1, s3;
	s31 =	stileid.u32;
	[sflag:s18] =	ssyncset.done $0x0  }
0x85: {  	p0 =	sne.s32 s3, s8;
	s0 =	sshll.u32 s31, $0x6;
	[sflag:s18] =	ssyncadd.s32 $0xFFFFEC00  }
.Ltmp2:
0x86: {  	s0 =	sor.u32 $0x1C03, s0;
	[bflag:$0x0] =	sbarrier.arrive $0xFFFF;
	(pc) =	sbr.rel @p0 .LBB2_1-.Ltmp2, $4  }
0x87: {  	[hbm:s7], [sflag:s0] =	dma.local [spmem:s25], $0x1400  }
0x88: {  	_ =	swait.ge [sflag:s18], $0x1400  }
0x89: {  	[sflag:s18] =	ssyncset.done $0x0  }
0x8a: {  	[sflag:s18] =	ssyncadd.s32 $0xFFFFEC00  }
0x8b: {  	_ =	sfence.sel $0x180000  }
0x8c: {  	[bflag:$0x0] =	sbarrier.arrive $0xFFFF  }
0x8d: {  	_ =	strace $0x9000004A  }
0x8e: {  	s0 =	stileid.u32;
	[bflag:$0x2] =	sbarrier.arrive $0xFFFF  }
0x8f: {  	p0 =	sne.s32 s0, $0x0;
	s0 =	rddreg [dreg:$0x2]  }
0x90: {  	s0 =	sadd.s32 @!p0 $0x100000, s0  }
0x91: {  	[sflag:s0] =	ssyncadd.tile.s32 @!p0 $0x1;
	_ =	shalt  }
.Lfunc_end2:
_tile_overlayer_lowered:
.L_overlay_start_2:
0x92: {  	(tag) =	ssettag $0x2  }
0x93: {  	s0 =	rddreg [dreg:$0x0];
	s2 =	stileid.u32  }
0x94: {  	s1 =	rddreg [dreg:$0x1];
	p0 =	sne.s32 s2, $0x0  }
0x95: {  	s3 =	rddreg [dreg:$0x2];
	[bflag:$0x3] =	sbarrier.arrive $0xFFFF;
	s2 =	simm.s32 @!p0 $0x1C03  }
0x96: {  	[timem:s3], [sflag:s2] =	dma.local @!p0 [hbm:s0], s1  }
0x97: {  	s0 =	simm.s32 @!p0 $0x3  }
0x98: {  	_ =	swait.ge @!p0 [sflag:s0], s1  }
0x99: {  	s1 =	ssub.s32 @!p0 $0x0, s1;
	[sflag:s0] =	ssyncset.done @!p0 $0x0  }
0x9a: {  	[sflag:s0] =	ssyncadd.s32 @!p0 s1  }
0x9b: {  	[bflag:$0x3] =	sbarrier.arrive $0xFFFF  }
0x9c: {  	_ =	shalt  }

// kernel: kernel.13.cloned.1.call-start
scs
__scs_entry_jumppad:
0x0: {  	(pc) =	sbr.rel $0x88, $3  }
0x1: {  	(tag) =	ssettag $0x0;
	lr =	simm.s32 $0x1  }
0x2: {  	[smem:$0x3F9B] =	sst lr;
	_ =	strace $0xD0000000  }
0x3: {  	_ = 	snop  }
0x4: {  	_ = 	snop  }
0x5: {  	_ = 	snop  }
0x6: {  	_ = 	snop  }
0x7: {  	_ = 	snop  }
__scs_overlays_trampoline_lowered:
0x8: {  	[smem:$0x3FAA] =	sst s0  }
0x9: {  	[smem:$0x3FAB] =	sst s1  }
0xa: {  	[smem:$0x3FAC] =	sst s2  }
0xb: {  	[smem:$0x3FAD] =	sst s3  }
0xc: {  	[smem:$0x3FAE] =	sst s4  }
0xd: {  	[smem:$0x3FAF] =	sst s5  }
0xe: {  	[smem:$0x3FB0] =	sst s6  }
0xf: {  	[smem:$0x3FB1] =	sst s7  }
0x10: {  	[smem:$0x3FB2] =	sst s8  }
0x11: {  	[smem:$0x3FB3] =	sst s9;
	s0 =	simm.s32 @!p0 $0x0  }
0x12: {  	s1 =	sld [smem:$0x3F99];
	s0 =	simm.s32 @p0 $0x1  }
0x13: {  	[smem:$0x3FB4] =	sst s0;
	s0 =	simm.s32 @!p1 $0x0  }
0x14: {  	s2 =	sld [smem:$0x3F98];
	s0 =	simm.s32 @p1 $0x1  }
0x15: {  	[smem:$0x3FB5] =	sst s0;
	s0 =	simm.s32 @!p2 $0x0  }
0x16: {  	s3 =	sld [smem:$0x3FDB];
	s0 =	simm.s32 @p2 $0x1  }
0x17: {  	s4 =	simm.s32 $0x1BF5;
	[smem:$0x3FB7] =	sst s0  }
0x18: {  	s0 =	sld [smem:$0x3F9A];
	_ =	swait.ge [sflag:s4], $0x0  }
0x19: {  	s7 =	sld [smem:$0x3F9B]  }
0x1a: {  	s8 =	sadd.s32 $0xFFFFE003, lr  }
0x1b: {  	s9 =	sadd.s32 $0xFFFFFEF7, lr;
	s5 =	simm.s32 $0xFFFFFFFF;
	p2 =	slt.u32 s8, $0xFFFFF086  }
0x1c: {  	p1 =	slt.u32 s9, $0xF7A;
	s5 =	simm.s32 @!p2 $0x0  }
0x1d: {  	s5 =	simm.s32 @p1 $0x1;
	p0 =	seq.s32 s7, s2  }
0x1e: {  	s7 =	smul.u32 @!p0 $0xF7A, s2;
	p2 =	seq.s32 @!p0 s5, $0x0  }
0x1f: {  	s9 =	smul.u32 $0xF7A, s1;
	s8 =	simm.s32 @!p0 $0x1BF5;
	p2 =	por !p2, p0  }
0x20: {  	[sflag:s8] =	ssyncset.s32 @!p0 $0xFFFFF086;
	s6 =	sadd.s32 @!p0 s3, s7;
	s7 =	simm.s32 @!p0 $0x108  }
0x21: {  	s3 =	sadd.s32 s3, s9;
	s6 =	sadd.s32 @!p0 $0x88, s6;
	s7 =	simm.s32 @p2 $0x1082  }
0x22: {  	[simem:s7], [sflag:s8] =	dma.local @!p0 [hbm:s6], $0xF7A  }
0x23: {  	s9 =	sor.u32 $0xD0000000, s2;
	s6 =	simm.s32 $0x108;
	_ =	swait.ge @!p0 [sflag:s8], $0x0  }
0x24: {  	s3 =	sadd.s32 $0x88, s3;
	s6 =	simm.s32 @!p1 $0x1082;
	[sflag:s4] =	ssyncset.s32 $0xFFFFF086  }
0x25: {  	[simem:s6], [sflag:s4] =	dma.local [hbm:s3], $0xF7A  }
0x26: {  	[smem:$0x3F9B] =	sst s1;
	(tag) =	ssettag s2;
	_ =	strace s9  }
0x27: {  	s1 =	sld [smem:$0x3FAB]  }
0x28: {  	s2 =	sld [smem:$0x3FAC]  }
0x29: {  	s4 =	sld [smem:$0x3FAE]  }
0x2a: {  	p0 =	seq.s32 s5, $0x0;
	s5 =	sld [smem:$0x3FAF]  }
0x2b: {  	s6 =	sld [smem:$0x3FB0]  }
0x2c: {  	s7 =	sld [smem:$0x3FB1]  }
0x2d: {  	s3 =	simm.s32 $0x108;
	s8 =	sld [smem:$0x3FB2]  }
0x2e: {  	s3 =	simm.s32 @!p0 $0x1082;
	s9 =	sld [smem:$0x3FB3]  }
0x2f: {  	lr =	sadd.s32 s0, s3;
	s0 =	sld [smem:$0x3FAA]  }
0x30: {  	s3 =	sld [smem:$0x3FAD]  }
0x31: {  	[smem:$0x3FB6] =	sst s10  }
0x32: {  	s10 =	sld [smem:$0x3FB4];
	_ =	sdelay $0x3  }
0x33: {  	p0 =	seq.s32 s10, $0x1;
	s10 =	sld [smem:$0x3FB6];
	_ =	sdelay $0x3  }
0x34: {  	[smem:$0x3FB6] =	sst s10  }
0x35: {  	s10 =	sld [smem:$0x3FB5];
	_ =	sdelay $0x3  }
0x36: {  	p1 =	seq.s32 s10, $0x1;
	s10 =	sld [smem:$0x3FB6];
	_ =	sdelay $0x3  }
0x37: {  	[smem:$0x3FB6] =	sst s10  }
0x38: {  	s10 =	sld [smem:$0x3FB7]  }
0x39: {  	_ = 	snop;
	(pc) =	sbr.ind lr, $3  }
0x3a: {  	_ = 	snop  }
0x3b: {  	_ = 	snop  }
0x3c: {  	p2 =	seq.s32 s10, $0x1;
	s10 =	sld [smem:$0x3FB6]  }
0x3d: {  	_ =	shalt  }
0x3e: {  	_ =	shalt  }
0x3f: {  	_ =	shalt  }
0x40: {  	_ =	shalt  }
0x41: {  	_ =	shalt  }
0x42: {  	_ =	shalt  }
0x43: {  	_ =	shalt  }
0x44: {  	_ =	shalt  }
0x45: {  	_ =	shalt  }
0x46: {  	_ =	shalt  }
0x47: {  	_ =	shalt  }
0x48: {  	_ =	shalt  }
0x49: {  	_ =	shalt  }
0x4a: {  	_ =	shalt  }
0x4b: {  	_ =	shalt  }
0x4c: {  	_ =	shalt  }
0x4d: {  	_ =	shalt  }
0x4e: {  	_ =	shalt  }
0x4f: {  	_ =	shalt  }
0x50: {  	_ =	shalt  }
0x51: {  	_ =	shalt  }
0x52: {  	_ =	shalt  }
0x53: {  	_ =	shalt  }
0x54: {  	_ =	shalt  }
0x55: {  	_ =	shalt  }
0x56: {  	_ =	shalt  }
0x57: {  	_ =	shalt  }
0x58: {  	_ =	shalt  }
0x59: {  	_ =	shalt  }
0x5a: {  	_ =	shalt  }
0x5b: {  	_ =	shalt  }
0x5c: {  	_ =	shalt  }
0x5d: {  	_ =	shalt  }
0x5e: {  	_ =	shalt  }
0x5f: {  	_ =	shalt  }
0x60: {  	_ =	shalt  }
0x61: {  	_ =	shalt  }
0x62: {  	_ =	shalt  }
0x63: {  	_ =	shalt  }
0x64: {  	_ =	shalt  }
0x65: {  	_ =	shalt  }
0x66: {  	_ =	shalt  }
0x67: {  	_ =	shalt  }
0x68: {  	_ =	shalt  }
0x69: {  	_ =	shalt  }
0x6a: {  	_ =	shalt  }
0x6b: {  	_ =	shalt  }
0x6c: {  	_ =	shalt  }
0x6d: {  	_ =	shalt  }
0x6e: {  	_ =	shalt  }
0x6f: {  	_ =	shalt  }
0x70: {  	_ =	shalt  }
0x71: {  	_ =	shalt  }
0x72: {  	_ =	shalt  }
0x73: {  	_ =	shalt  }
0x74: {  	_ =	shalt  }
0x75: {  	_ =	shalt  }
0x76: {  	_ =	shalt  }
0x77: {  	_ =	shalt  }
0x78: {  	_ =	shalt  }
0x79: {  	_ =	shalt  }
0x7a: {  	_ =	shalt  }
0x7b: {  	_ =	shalt  }
0x7c: {  	_ =	shalt  }
0x7d: {  	_ =	shalt  }
0x7e: {  	_ =	shalt  }
0x7f: {  	_ =	shalt  }
0x80: {  	_ =	shalt  }
0x81: {  	_ =	shalt  }
0x82: {  	_ =	shalt  }
0x83: {  	_ =	shalt  }
0x84: {  	_ =	shalt  }
0x85: {  	_ =	shalt  }
0x86: {  	_ =	shalt  }
0x87: {  	_ =	shalt  }
.Lfunc_end0:
.L_simem_size_0:
called_computation.2_lowered:
.L_overlay_start_0:
0x88: {  	s2 =	sld [smem:$0x3FD9]  }
0x89: {  	s3 =	sld [smem:$0x3FFE];
	_ =	sdelay $0x1  }
0x8a: {  	s1 =	srdreg.scid  }
0x8b: {  	s0 =	sand.u32 $0x1, s1  }
0x8c: {  	s17 =	sshll.u32 s0, $0xA;
	s2 =	sadd.s32 s3, s2  }
0x8d: {  	s2 =	sadd.s32 s2, s17  }
0x8e: {  	[smem:$0x3FC2] =	sst s2  }
0x8f: {  	_ = 	snop  }
0x90: {  	s2 =	sld [smem:$0x3FC4]  }
0x91: {  	s18 =	sld [smem:$0x3FD0];
	(tm) =	ssettm $0x1  }
0x92: {  	s4 =	sld [smem:$0x3FFB];
	_ =	sdelay $0x3  }
0x93: {  	_ =	strace s4  }
0x94: {  	s4 =	sld [smem:$0x3FFC];
	_ =	sdelay $0x3  }
0x95: {  	_ =	strace s4  }
0x96: {  	s4 =	sld [smem:$0x3FFD];
	_ =	sdelay $0x3  }
0x97: {  	_ =	strace s4  }
0x98: {  	_ =	strace $0x8FFFFFFF  }
0x99: {  	s19 =	sld [smem:$0x3FDB];
	_ =	sdelay $0x1  }
0x9a: {  	s5 =	simm.s32 $_scs_section_size  }
0x9b: {  	s6 =	simm.s32 $_size__tile_overlayer_lowered;
	s7 =	simm.s32 $_tile_overlayer_lowered  }
0x9c: {  	s22 =	simm.s32 $0x1BFF;
	s21 =	sshll.u32 s7, $0x1;
	s4 =	sadd.s32 s5, s19  }
0x9d: {  	s8 =	simm.s32 $0x0;
	s20 =	sshll.u32 s6, $0x1;
	s6 =	sadd.s32 s21, s4  }
0x9e: {  	[timem:s8], [sflag:s22] =	dma.local [hbm:s6], s20  }
0x9f: {  	_ =	swait.ge [sflag:s22], s20  }
0xa0: {  	s5 =	ssub.s32 $0x0, s20;
	[sflag:s22] =	ssyncset.done $0x0  }
0xa1: {  	[sflag:s22] =	ssyncadd.s32 s5;
	_ =	sdelay $0x1  }
0xa2: {  	s23 =	simm.s32 $0x1B8B  }
0xa3: {  	_ =	swait.ge [sflag:s23], $0x1  }
0xa4: {  	[sflag:s23] =	ssyncset.done $0x0  }
0xa5: {  	s25 =	simm.s32 $0x1B8E;
	s24 =	sld [smem:$0x3FFE];
	[sflag:s23] =	ssyncadd.s32 $0xFFFFFFFF  }
0xa6: {  	s26 =	simm.s32 $execute0_lowered;
	[smem:$0x3FD2] =	sst s25  }
0xa7: {  	s6 =	sshll.u32 s26, $0x1;
	_ =	strace $0x8000004C;
	[dreg:$0x1] =	wrdreg $0xFFFFFFFF  }
0xa8: {  	s28 =	simm.s32 $_size_execute0_lowered;
	s4 =	sadd.s32 s4, s6;
	[dreg:$0x0] =	wrdreg $0x0  }
0xa9: {  	s6 =	sshll.u32 s28, $0x1;
	[dreg:$0x2] =	wrdreg s4  }
0xaa: {  	[dreg:$0x3] =	wrdreg s6  }
0xab: {  	[dreg:$0x4] =	wrdreg $0xC0  }
0xac: {  	_ =	task [dreg:s8], $0x5FFFF  }
0xad: {  	[dreg:$0x1] =	wrdreg $0xFFFFFFFF  }
0xae: {  	[dreg:$0x0] =	wrdreg $0x60  }
0xaf: {  	[dreg:$0x2] =	wrdreg s18  }
0xb0: {  	[dreg:$0x3] =	wrdreg s24  }
0xb1: {  	[dreg:$0x4] =	wrdreg s2  }
0xb2: {  	[dreg:$0x5] =	wrdreg $0x178C00  }
0xb3: {  	[dreg:$0x6] =	wrdreg $0x9  }
0xb4: {  	_ =	task.clear_ibuf [dreg:s8], $0x7FFFF;
	_ =	strace $0x9000004C  }
0xb5: {  	s29 =	simm.s32 $0x9;
	_ =	strace $0x8000004E  }
0xb6: {  	_ =	swait.ge [sflag:s29], $0x1  }
0xb7: {  	[sflag:s29] =	ssyncadd.s32 $0xFFFFFFFF  }
0xb8: {  	_ =	strace $0x9000004E  }
0xb9: {  	_ =	sfence  }
0xba: {  	s30 =	sld [smem:$0x0];
	_ =	sdelay $0x2  }
0xbb: {  	s31 =	sshll.u32 s1, $0xD;
	s1 =	sshrl.u32 s1, $0x2  }
0xbc: {  	s3 =	sand.u32 $0x4000, s31;
	s1 =	sadd.s32 s1, s30  }
0xbd: {  	s0 =	sor.u32 s3, s0;
	s1 =	sshll.u32 s1, $0x11  }
0xbe: {  	s0 =	sor.u32 s1, s0  }
0xbf: {  	s0 =	sadd.s32 $0x8F2B, s0  }
0xc0: {  	[sflag:s0] =	ssyncadd.remote.s32 $0x1  }
0xc1: {  	_ =	sfence.sel $0xFFFF  }
0xc2: {  	[dreg:$0x0] =	wrdreg $0xFFFFFFFF;
	(pc) =	sbr.abs _section_cstart, $3  }
0xc3: {  	[dreg:$0x1] =	wrdreg $0xFFFFFFFF  }
0xc4: {  	_ =	task.clear_ibuf [dreg:s8], $0x2FFFF;
	_ =	strace $0x9FFFFFFF  }
0xc5: {  	(tm) =	ssettm $0x7FFFFFFF  }
tec
execute0_lowered:
.L_overlay_start_1:
0x0: {  	(tag) =	ssettag $0x1  }
0x1: {  	s0 =	rddreg [dreg:$0x0]  }
0x2: {  	s1 =	rddreg [dreg:$0x1]  }
0x3: {  	s9 =	rddreg [dreg:$0x2];
	s3 =	stileid.u32  }
0x4: {  	s2 =	rddreg [dreg:$0x3];
	s6 =	simm.s32 $0x0;
	s4 =	smul.u32 $0x9C4, s3  }
0x5: {  	s5 =	srdreg.scid;
	s28 =	simm.s32 $0x1;
	s21 =	smul.u32 $0x500, s3  }
0x6: {  	s29 =	simm.s32 $0x2;
	s31 =	simm.s32 $0x0;
	s11 =	smul.u32 $0x5000, s3  }
0x7: {  	[smem:$0x7FF] =	sst s6;
	s10 =	sand.u32 $0x1, s5;
	s25 =	smul.u32 $0xA000, s3  }
0x8: {  	s14 =	smul.u32 $0x14000, s3;
	p0 =	seq.s32 s3, $0xF;
	_ =	strace $0x8000004D  }
0x9: {  	s23 =	ssub.s32 $0x2, s10;
	s7 =	smul.u32 $0x9C40, s10;
	s12 =	sshll.u32 s10, $0x5  }
0xa: {  	s10 =	sshll.u32 s10, $0x2;
	s22 =	sadd.s32 s4, s1;
	s8 =	sadd.s32 s21, s1  }
0xb: {  	s24 =	sshrl.u32 s23, $0x1;
	s1 =	sadd.s32 $0x15600, s1;
	s9 =	sadd.s32 s9, s10  }
0xc: {  	s30 =	sshrl.u32 s14, $0x2;
	s21 =	simm.s32 $0x9C40;
	s13 =	ssub.s32 s23, s24  }
0xd: {  	s4 =	sadd.s32 $0x1A00, s22;
	s5 =	sadd.s32 $0xB800, s22;
	s6 =	sadd.s32 s0, s7  }
0xe: {  	s7 =	sadd.s32 s11, s2;
	s8 =	sadd.s32 $0xDAA00, s8;
	s23 =	sshrl.u32 s11, $0x3  }
0xf: {  	s0 =	sor.u32 s12, s25;
	s26 =	sadd.s32 s10, s1;
	s12 =	sadd.s32 s30, s2  }
0x10: {  	s22 =	simm.s32 $0x3;
	s24 =	simm.s32 $0x50;
	s0 =	sshrl.u32 s0, $0x3  }
0x11: {  	s11 =	sadd.s32 $0x12C00, s26;
	s13 =	smax.u32 s13, $0x1;
	s14 =	sadd.s32 $0xA00, s12  }
0x12: {  	s15 =	sadd.s32 $0x1400, s12;
	s16 =	sadd.s32 $0x1E00, s12;
	s17 =	sadd.s32 $0x2800, s12  }
0x13: {  	s18 =	sadd.s32 $0x3200, s12;
	s19 =	sadd.s32 $0x3C00, s12;
	s20 =	sadd.s32 $0x4600, s12  }
0x14: {  	v0 =	vimm.f32 $0.0e+00;
	s25 =	sadd.s32 @!p0 s23, s6;
	s26 =	simm.s32 $0xA640;
	s10 =	sadd.s32 s1, s0  }
.LBB2_1:
0x15: {  	s0 =	simm.s32 $0x80;
	s1 =	simm.s32 $0x0  }
.LBB2_2:
0x16: {  	p1 =	sne.s32 s0, $0x2780;
	[tilespmem:s1+$0x9C40] =	vst v0;
	s23 =	smov.u32 s0;
	s0 =	sadd.s32 $0x80, s0  }
.Ltmp0:
0x17: {  	[tilespmem:s1+$0x9C50] =	vst v0;
	(pc) =	sbr.rel @p1 .LBB2_2-.Ltmp0, $2  }
0x18: {  	_ =	sdelay $0x2  }
0x19: {  	s1 =	sshra.s32 s23, $0x2  }
0x1a: {  	[tilespmem:s1+$0x9C40] =	vst v0  }
0x1b: {  	[tilespmem:s1+$0x9C50] =	vst v0  }
0x1c: {  	[spmem:s12] =	stream.linear.scatter [tilespmem:s21], [sflag:$0x3], $0xA00, $0x38;
	[tilespmem:$0x1C8C0] =	vst v63  }
0x1d: {  	_ =	swait.ge [sflag:s22], $0xA00  }
0x1e: {  	[sflag:s22] =	ssyncset.done $0x0  }
0x1f: {  	[sflag:s22] =	ssyncadd.s32 $0xFFFFF600  }
0x20: {  	[spmem:s14] =	stream.linear.scatter [tilespmem:s21], [sflag:$0x3], $0xA00, $0x38;
	[tilespmem:$0x1C8C0] =	vst v63  }
0x21: {  	_ =	swait.ge [sflag:s22], $0xA00  }
0x22: {  	[sflag:s22] =	ssyncset.done $0x0  }
0x23: {  	[sflag:s22] =	ssyncadd.s32 $0xFFFFF600  }
0x24: {  	[spmem:s15] =	stream.linear.scatter [tilespmem:s21], [sflag:$0x3], $0xA00, $0x38;
	[tilespmem:$0x1C8C0] =	vst v63  }
0x25: {  	_ =	swait.ge [sflag:s22], $0xA00  }
0x26: {  	[sflag:s22] =	ssyncset.done $0x0  }
0x27: {  	[sflag:s22] =	ssyncadd.s32 $0xFFFFF600  }
0x28: {  	[spmem:s16] =	stream.linear.scatter [tilespmem:s21], [sflag:$0x3], $0xA00, $0x38;
	[tilespmem:$0x1C8C0] =	vst v63  }
0x29: {  	_ =	swait.ge [sflag:s22], $0xA00  }
0x2a: {  	[sflag:s22] =	ssyncset.done $0x0  }
0x2b: {  	[sflag:s22] =	ssyncadd.s32 $0xFFFFF600  }
0x2c: {  	[spmem:s17] =	stream.linear.scatter [tilespmem:s21], [sflag:$0x3], $0xA00, $0x38;
	[tilespmem:$0x1C8C0] =	vst v63  }
0x2d: {  	_ =	swait.ge [sflag:s22], $0xA00  }
0x2e: {  	[sflag:s22] =	ssyncset.done $0x0  }
0x2f: {  	[sflag:s22] =	ssyncadd.s32 $0xFFFFF600  }
0x30: {  	[spmem:s18] =	stream.linear.scatter [tilespmem:s21], [sflag:$0x3], $0xA00, $0x38;
	[tilespmem:$0x1C8C0] =	vst v63  }
0x31: {  	_ =	swait.ge [sflag:s22], $0xA00  }
0x32: {  	[sflag:s22] =	ssyncset.done $0x0  }
0x33: {  	[sflag:s22] =	ssyncadd.s32 $0xFFFFF600  }
0x34: {  	[spmem:s19] =	stream.linear.scatter [tilespmem:s21], [sflag:$0x3], $0xA00, $0x38;
	[tilespmem:$0x1C8C0] =	vst v63  }
0x35: {  	_ =	swait.ge [sflag:s22], $0xA00  }
0x36: {  	[sflag:s22] =	ssyncset.done $0x0  }
0x37: {  	[sflag:s22] =	ssyncadd.s32 $0xFFFFF600  }
0x38: {  	[spmem:s20] =	stream.linear.scatter [tilespmem:s21], [sflag:$0x3], $0xA00, $0x38;
	[tilespmem:$0x1C8C0] =	vst v63  }
0x39: {  	_ =	swait.ge [sflag:s22], $0xA00  }
0x3a: {  	[sflag:s22] =	ssyncset.done $0x0  }
0x3b: {  	s0 =	simm.s32 $0x0;
	[sflag:s22] =	ssyncadd.s32 $0xFFFFF600  }
0x3c: {  	[tilespmem:s0], [sflag:$0x3] =	stream.linear.gather [hbm4b:s4+s0], $0x4E20, $0x38;
	[tilespmem:$0x1C8C0] =	vst v63  }
0x3d: {  	_ =	swait.ge [sflag:s22], $0x4E20  }
0x3e: {  	[sflag:s22] =	ssyncset.done $0x0  }
0x3f: {  	s30 =	simm.s32 $0x4E20;
	[sflag:s22] =	ssyncadd.s32 $0xFFFFB1E0  }
0x40: {  	[tilespmem:s30], [sflag:$0x3] =	stream.linear.gather [hbm4b:s5+s0], $0x4E20, $0x38;
	[tilespmem:$0x1C8C0] =	vst v63  }
0x41: {  	_ =	swait.ge [sflag:s22], $0x4E20  }
0x42: {  	[sflag:s22] =	ssyncset.done $0x0  }
0x43: {  	[sflag:s22] =	ssyncadd.s32 $0xFFFFB1E0  }
0x44: {  	[bflag:$0x0] =	sbarrier.arrive $0xFFFF  }
0x45: {  	[tilespmem:s21], [sflag:$0x1] =	stream.indirect.gather [hbm4b:s6+s24], $0x20, s0, s24, $0xb8;
	[tilespmem:$0x1C8C0] =	vst v63  }
0x46: {  	s1 =	simm.s32 $0x50  }
0x47: {  	[tilespmem:s26], [sflag:$0x2] =	stream.indirect.gather [hbm4b:s6+s24], $0x20, s1, s24, $0xb8;
	[tilespmem:$0x1C8C0] =	vst v63  }
0x48: {  	_ =	swait.ge [sflag:s28], $0xA00  }
0x49: {  	[sflag:s28] =	ssyncset.done $0x0  }
0x4a: {  	s3 =	simm.s32 $0x4E20;
	[sflag:s28] =	ssyncadd.s32 $0xFFFFF600  }
0x4b: {  	[spmem:s2] =	stream.indirect.scatter.add.f32 [tilespmem:s21], [sflag:$0x3], $0x20, s3, s24, $0xb8;
	[tilespmem:$0x1C8C0] =	vst v63  }
0x4c: {  	_ =	swait.ge [sflag:s22], $0xA00  }
0x4d: {  	[sflag:s22] =	ssyncset.done $0x0  }
0x4e: {  	s23 =	simm.s32 $0xA0;
	[sflag:s22] =	ssyncadd.s32 $0xFFFFF600  }
0x4f: {  	[tilespmem:s21], [sflag:$0x1] =	stream.indirect.gather [hbm4b:s6+s24], $0x20, s23, s24, $0xb8;
	[tilespmem:$0x1C8C0] =	vst v63  }
0x50: {  	_ =	swait.ge [sflag:s29], $0xA00  }
0x51: {  	[sflag:s29] =	ssyncset.done $0x0  }
0x52: {  	s30 =	simm.s32 $0x4E70;
	[sflag:s29] =	ssyncadd.s32 $0xFFFFF600  }
0x53: {  	[spmem:s2] =	stream.indirect.scatter.add.f32 [tilespmem:s26], [sflag:$0x3], $0x20, s30, s24, $0xb8;
	[tilespmem:$0x1C8C0] =	vst v63  }
0x54: {  	_ =	swait.ge [sflag:s22], $0xA00  }
0x55: {  	s0 =	simm.s32 $0xA0;
	s1 =	simm.s32 $0x500;
	[sflag:s22] =	ssyncset.done $0x0  }
.LBB2_4:
0x56: {  	s23 =	sadd.s32 $0x50, s0  }
0x57: {  	[sflag:s22] =	ssyncadd.s32 $0xFFFFF600;
	s30 =	smov.u32 s1;
	s3 =	sadd.s32 $0x280, s1  }
0x58: {  	[tilespmem:s26], [sflag:$0x2] =	stream.indirect.gather [hbm4b:s6+s24], $0x20, s23, s24, $0xb8;
	[tilespmem:$0x1C8C0] =	vst v63  }
0x59: {  	p1 =	sne.s32 s1, $0x13380;
	_ =	swait.ge [sflag:s28], $0xA00  }
0x5a: {  	[sflag:s28] =	ssyncset.done $0x0  }
0x5b: {  	s1 =	sadd.s32 $0x4E20, s0;
	[sflag:s28] =	ssyncadd.s32 $0xFFFFF600  }
0x5c: {  	[spmem:s2] =	stream.indirect.scatter.add.f32 [tilespmem:s21], [sflag:$0x3], $0x20, s1, s24, $0xb8;
	[tilespmem:$0x1C8C0] =	vst v63  }
0x5d: {  	_ =	swait.ge [sflag:s22], $0xA00  }
0x5e: {  	[sflag:s22] =	ssyncset.done $0x0  }
0x5f: {  	s1 =	sadd.s32 $0xA0, s0;
	[sflag:s22] =	ssyncadd.s32 $0xFFFFF600  }
0x60: {  	[tilespmem:s21], [sflag:$0x1] =	stream.indirect.gather [hbm4b:s6+s24], $0x20, s1, s24, $0xb8;
	[tilespmem:$0x1C8C0] =	vst v63  }
0x61: {  	_ =	swait.ge [sflag:s29], $0xA00  }
.Ltmp1:
0x62: {  	[sflag:s29] =	ssyncset.done $0x0;
	(pc) =	sbr.rel @p1 .LBB2_4-.Ltmp1, $4  }
0x63: {  	s0 =	sadd.s32 $0x4E70, s0;
	[sflag:s29] =	ssyncadd.s32 $0xFFFFF600  }
0x64: {  	[spmem:s2] =	stream.indirect.scatter.add.f32 [tilespmem:s26], [sflag:$0x3], $0x20, s0, s24, $0xb8;
	[tilespmem:$0x1C8C0] =	vst v63  }
0x65: {  	_ =	swait.ge [sflag:s22], $0xA00  }
0x66: {  	s1 =	smov.u32 s3;
	s0 =	sshra.s32 s30, $0x2;
	[sflag:s22] =	ssyncset.done $0x0  }
0x67: {  	s1 =	sadd.s32 $0x50, s0;
	[sflag:s22] =	ssyncadd.s32 $0xFFFFF600  }
0x68: {  	[tilespmem:s26], [sflag:$0x2] =	stream.indirect.gather [hbm4b:s6+s24], $0x20, s1, s24, $0xb8;
	[tilespmem:$0x1C8C0] =	vst v63  }
0x69: {  	_ =	swait.ge [sflag:s28], $0xA00  }
0x6a: {  	[sflag:s28] =	ssyncset.done $0x0  }
0x6b: {  	s30 =	sadd.s32 $0x4E20, s0;
	[sflag:s28] =	ssyncadd.s32 $0xFFFFF600  }
0x6c: {  	[spmem:s2] =	stream.indirect.scatter.add.f32 [tilespmem:s21], [sflag:$0x3], $0x20, s30, s24, $0xb8;
	[tilespmem:$0x1C8C0] =	vst v63  }
0x6d: {  	_ =	swait.ge [sflag:s22], $0xA00  }
0x6e: {  	[sflag:s22] =	ssyncset.done $0x0  }
0x6f: {  	s3 =	sadd.s32 $0xA0, s0;
	[sflag:s22] =	ssyncadd.s32 $0xFFFFF600  }
0x70: {  	[tilespmem:s21], [sflag:$0x1] =	stream.indirect.gather [hbm4b:s6+s24], $0x20, s3, s24, $0xb8;
	[tilespmem:$0x1C8C0] =	vst v63  }
0x71: {  	_ =	swait.ge [sflag:s29], $0xA00  }
0x72: {  	[sflag:s29] =	ssyncset.done $0x0  }
0x73: {  	s23 =	sadd.s32 $0x4E70, s0;
	[sflag:s29] =	ssyncadd.s32 $0xFFFFF600  }
0x74: {  	[spmem:s2] =	stream.indirect.scatter.add.f32 [tilespmem:s26], [sflag:$0x3], $0x20, s23, s24, $0xb8;
	[tilespmem:$0x1C8C0] =	vst v63  }
0x75: {  	_ =	swait.ge [sflag:s22], $0xA00  }
0x76: {  	[sflag:s22] =	ssyncset.done $0x0  }
0x77: {  	s30 =	simm.s32 $0x4DD0;
	[sflag:s22] =	ssyncadd.s32 $0xFFFFF600  }
0x78: {  	[tilespmem:s26], [sflag:$0x2] =	stream.indirect.gather [hbm4b:s6+s24], $0x20, s30, s24, $0xb8;
	[tilespmem:$0x1C8C0] =	vst v63  }
0x79: {  	_ =	swait.ge [sflag:s28], $0xA00  }
0x7a: {  	[sflag:s28] =	ssyncset.done $0x0  }
0x7b: {  	s1 =	simm.s32 $0x9BA0;
	[sflag:s28] =	ssyncadd.s32 $0xFFFFF600  }
0x7c: {  	[spmem:s2] =	stream.indirect.scatter.add.f32 [tilespmem:s21], [sflag:$0x3], $0x20, s1, s24, $0xb8;
	[tilespmem:$0x1C8C0] =	vst v63  }
0x7d: {  	_ =	swait.ge [sflag:s22], $0xA00  }
0x7e: {  	[sflag:s22] =	ssyncset.done $0x0  }
0x7f: {  	[sflag:s22] =	ssyncadd.s32 $0xFFFFF600  }
0x80: {  	_ =	swait.ge [sflag:s29], $0xA00  }
0x81: {  	[sflag:s29] =	ssyncset.done $0x0  }
0x82: {  	s3 =	simm.s32 $0x9BF0;
	[sflag:s29] =	ssyncadd.s32 $0xFFFFF600  }
0x83: {  	[spmem:s2] =	stream.indirect.scatter.add.f32 [tilespmem:s26], [sflag:$0x3], $0x20, s3, s24, $0xb8;
	[tilespmem:$0x1C8C0] =	vst v63  }
0x84: {  	_ =	swait.ge [sflag:s22], $0xA00  }
0x85: {  	[sflag:s22] =	ssyncset.done $0x0  }
0x86: {  	[sflag:s22] =	ssyncadd.s32 $0xFFFFF600  }
0x87: {  	s23 =	simm.s32 $0xB040;
	[bflag:$0x0] =	sbarrier.arrive $0xFFFF  }
0x88: {  	[tilespmem:s23], [sflag:$0x3] =	stream.linear.gather [spmem:s7], $0x5000, $0x38;
	[tilespmem:$0x1C8C0] =	vst v63  }
0x89: {  	_ =	swait.ge [sflag:s22], $0x5000  }
0x8a: {  	[sflag:s22] =	ssyncset.done $0x0  }
0x8b: {  	s30 =	simm.s32 $0x0;
	s3 =	simm.s32 $0x15040;
	[sflag:s22] =	ssyncadd.s32 $0xFFFFB000  }
0x8c: {  	[tilespmem:s3], [sflag:$0x3] =	stream.linear.gather [hbm4b:s8+s30], $0x2800, $0x38;
	[tilespmem:$0x1C8C0] =	vst v63  }
0x8d: {  	_ =	swait.ge [sflag:s22], $0x2800  }
0x8e: {  	[sflag:s22] =	ssyncset.done $0x0  }
0x8f: {  	s23 =	simm.s32 $0x17840;
	[sflag:s22] =	ssyncadd.s32 $0xFFFFD800  }
0x90: {  	[tilespmem:s23], [sflag:$0x3] =	stream.linear.gather [hbm4b:s9+s30], $0x20, $0x38;
	[tilespmem:$0x1C8C0] =	vst v63  }
0x91: {  	_ =	swait.ge [sflag:s22], $0x20  }
0x92: {  	s0 =	sadd.s32 @p0 $0x9600, s6;
	[sflag:s22] =	ssyncset.done $0x0  }
0x93: {  	s1 =	simm.s32 @p0 $0x0;
	s3 =	simm.s32 @p0 $0x10040;
	[sflag:s22] =	ssyncadd.s32 $0xFFFFFFE0  }
0x94: {  	[tilespmem:s3], [sflag:$0x3] =	stream.linear.gather @p0 [hbm4b:s0+s1], $0x3200, $0x38;
	[tilespmem:$0x1C8C0] =	vst v63  }
0x95: {  	s0 =	simm.s32 @p0 $0x3  }
0x96: {  	_ =	swait.ge @p0 [sflag:s0], $0x3200  }
0x97: {  	[sflag:s0] =	ssyncset.done @p0 $0x0  }
0x98: {  	s1 =	simm.s32 @!p0 $0x10040;
	[sflag:s0] =	ssyncadd.s32 @p0 $0xFFFFCE00;
	s0 =	simm.s32 @!p0 $0x0  }
0x99: {  	[tilespmem:s1], [sflag:$0x3] =	stream.linear.gather @!p0 [hbm4b:s25+s0], $0x5000, $0x38;
	[tilespmem:$0x1C8C0] =	vst v63  }
0x9a: {  	s0 =	simm.s32 @!p0 $0x3  }
0x9b: {  	_ =	swait.ge @!p0 [sflag:s0], $0x5000  }
0x9c: {  	[sflag:s0] =	ssyncset.done @!p0 $0x0  }
0x9d: {  	s30 =	simm.s32 $0x0;
	[sflag:s0] =	ssyncadd.s32 @!p0 $0xFFFFB000  }
0x9e: {  	v3 =	vld [tilespmem:s30+$0x10040]  }
0x9f: {  	v2 =	vld [tilespmem:s30+$0x10050]  }
0xa0: {  	v4 =	vld [tilespmem:s30+$0xB050]  }
0xa1: {  	s1 =	simm.s32 $0x15040;
	v5 =	vld [tilespmem:s30+$0xB040]  }
0xa2: {  	v6 =	vld [tilespmem:s1+$0x0];
	_ =	sdelay $0x1  }
0xa3: {  	v1 =	vld [tilespmem:$0x17850]  }
0xa4: {  	v4 =	vadd.f32 v2, v4;
	v2 =	vld [tilespmem:$0x17840]  }
0xa5: {  	v3 =	vadd.f32 v3, v5  }
0xa6: {  	v4 =	vmul.f32 v4, v6  }
0xa7: {  	v5 =	vmul.f32 v3, v6  }
0xa8: {  	s0 =	simm.s32 $0x20;
	v6 =	vadd.f32 v4, v1  }
0xa9: {  	v3 =	vld [tilespmem:s0+$0x10040];
	v7 =	vadd.f32 v5, v2  }
0xaa: {  	v4 =	vld [tilespmem:s0+$0x10050];
	[tilespmem:s30+$0xB050] =	vst v6  }
0xab: {  	s23 =	simm.s32 $0x100;
	v5 =	vld [tilespmem:s0+$0xB050];
	[tilespmem:s30+$0xB040] =	vst v7  }
.LBB2_6:
0xac: {  	p1 =	sne.s32 s23, $0x13F80;
	v6 =	vld [tilespmem:s0+$0xB040];
	s1 =	sadd.s32 $0x10, s1  }
0xad: {  	v7 =	vld [tilespmem:s1+$0x0];
	_ =	sdelay $0x2  }
0xae: {  	v4 =	vadd.f32 v4, v5  }
0xaf: {  	v3 =	vadd.f32 v3, v6  }
0xb0: {  	v4 =	vmul.f32 v4, v7  }
.Ltmp2:
0xb1: {  	v5 =	vmul.f32 v3, v7;
	(pc) =	sbr.rel @p1 .LBB2_6-.Ltmp2, $4  }
0xb2: {  	s3 =	sshra.s32 s23, $0x2;
	v6 =	vadd.f32 v4, v1  }
0xb3: {  	v3 =	vld [tilespmem:s3+$0x10040];
	v7 =	vadd.f32 v5, v2  }
0xb4: {  	v4 =	vld [tilespmem:s3+$0x10050];
	[tilespmem:s0+$0xB050] =	vst v6  }
0xb5: {  	s23 =	sadd.s32 $0x80, s23;
	v5 =	vld [tilespmem:s3+$0xB050];
	[tilespmem:s0+$0xB040] =	vst v7;
	s0 =	smov.u32 s3  }
0xb6: {  	v6 =	vld [tilespmem:s0+$0xB040];
	s1 =	sadd.s32 $0x10, s1  }
0xb7: {  	v7 =	vld [tilespmem:s1+$0x0];
	_ =	sdelay $0x2  }
0xb8: {  	v4 =	vadd.f32 v4, v5  }
0xb9: {  	v3 =	vadd.f32 v3, v6  }
0xba: {  	v4 =	vmul.f32 v4, v7  }
0xbb: {  	v3 =	vmul.f32 v3, v7  }
0xbc: {  	v1 =	vadd.f32 v4, v1  }
0xbd: {  	v2 =	vadd.f32 v3, v2  }
0xbe: {  	[tilespmem:s0+$0xB050] =	vst v1  }
0xbf: {  	s3 =	simm.s32 @p0 $0xB040;
	s1 =	simm.s32 @p0 $0x40;
	[tilespmem:s0+$0xB040] =	vst v2;
	s0 =	simm.s32 @p0 $0x20  }
0xc0: {  	[hbm4b:s11+s0] =	stream.strided.scatter @p0 [tilespmem:s3], [sflag:$0x3], $0x3200, s1, s0, $0x38;
	[tilespmem:$0x1C8C0] =	vst v63  }
0xc1: {  	s0 =	simm.s32 @p0 $0x3  }
0xc2: {  	s31 =	sadd.s32 $0x1, s31;
	_ =	swait.ge @p0 [sflag:s0], $0x3200  }
0xc3: {  	p1 =	sne.s32 s31, s13;
	s1 =	simm.s32 @!p0 $0x40;
	[sflag:s0] =	ssyncset.done @p0 $0x0  }
0xc4: {  	s3 =	simm.s32 @!p0 $0xB040;
	[sflag:s0] =	ssyncadd.s32 @p0 $0xFFFFCE00;
	s0 =	simm.s32 @!p0 $0x20  }
0xc5: {  	[hbm4b:s10+s0] =	stream.strided.scatter @!p0 [tilespmem:s3], [sflag:$0x3], $0x5000, s1, s0, $0x38;
	[tilespmem:$0x1C8C0] =	vst v63  }
.Ltmp3:
0xc6: {  	_ = 	snop;
	(pc) =	sbr.rel @p1 .LBB2_1-.Ltmp3, $4  }
0xc7: {  	s0 =	simm.s32 @!p0 $0x3  }
0xc8: {  	_ =	swait.ge @!p0 [sflag:s0], $0x5000  }
0xc9: {  	[sflag:s0] =	ssyncset.done @!p0 $0x0  }
0xca: {  	[sflag:s0] =	ssyncadd.s32 @!p0 $0xFFFFB000  }
0xcb: {  	_ =	sfence.sel $0x180000  }
0xcc: {  	[bflag:$0x0] =	sbarrier.arrive $0xFFFF  }
0xcd: {  	_ =	strace $0x9000004D  }
0xce: {  	s0 =	stileid.u32;
	[bflag:$0x2] =	sbarrier.arrive $0xFFFF  }
0xcf: {  	p0 =	sne.s32 s0, $0x0;
	s0 =	rddreg [dreg:$0x4]  }
0xd0: {  	s0 =	sadd.s32 @!p0 $0x100000, s0  }
0xd1: {  	[sflag:s0] =	ssyncadd.tile.s32 @!p0 $0x1;
	_ =	shalt  }
.Lfunc_end2:
_tile_overlayer_lowered:
.L_overlay_start_2:
0xd2: {  	(tag) =	ssettag $0x2  }
0xd3: {  	s0 =	rddreg [dreg:$0x0];
	s2 =	stileid.u32  }
0xd4: {  	s1 =	rddreg [dreg:$0x1];
	p0 =	sne.s32 s2, $0x0  }
0xd5: {  	s3 =	rddreg [dreg:$0x2];
	[bflag:$0x3] =	sbarrier.arrive $0xFFFF;
	s2 =	simm.s32 @!p0 $0x1C03  }
0xd6: {  	[timem:s3], [sflag:s2] =	dma.local @!p0 [hbm:s0], s1  }
0xd7: {  	s0 =	simm.s32 @!p0 $0x3  }
0xd8: {  	_ =	swait.ge @!p0 [sflag:s0], s1  }
0xd9: {  	s1 =	ssub.s32 @!p0 $0x0, s1;
	[sflag:s0] =	ssyncset.done @!p0 $0x0  }
0xda: {  	[sflag:s0] =	ssyncadd.s32 @!p0 s1  }
0xdb: {  	[bflag:$0x3] =	sbarrier.arrive $0xFFFF  }
0xdc: {  	_ =	shalt  }

// kernel: kernel.7.cloned.1.call-start
scs
__scs_entry_jumppad:
0x0: {  	(pc) =	sbr.rel $0x88, $3  }
0x1: {  	(tag) =	ssettag $0x0;
	lr =	simm.s32 $0x1  }
0x2: {  	[smem:$0x3F9B] =	sst lr;
	_ =	strace $0xD0000000  }
0x3: {  	_ = 	snop  }
0x4: {  	_ = 	snop  }
0x5: {  	_ = 	snop  }
0x6: {  	_ = 	snop  }
0x7: {  	_ = 	snop  }
__scs_overlays_trampoline_lowered:
0x8: {  	[smem:$0x3FAA] =	sst s0  }
0x9: {  	[smem:$0x3FAB] =	sst s1  }
0xa: {  	[smem:$0x3FAC] =	sst s2  }
0xb: {  	[smem:$0x3FAD] =	sst s3  }
0xc: {  	[smem:$0x3FAE] =	sst s4  }
0xd: {  	[smem:$0x3FAF] =	sst s5  }
0xe: {  	[smem:$0x3FB0] =	sst s6  }
0xf: {  	[smem:$0x3FB1] =	sst s7  }
0x10: {  	[smem:$0x3FB2] =	sst s8  }
0x11: {  	[smem:$0x3FB3] =	sst s9;
	s0 =	simm.s32 @!p0 $0x0  }
0x12: {  	s1 =	sld [smem:$0x3F99];
	s0 =	simm.s32 @p0 $0x1  }
0x13: {  	[smem:$0x3FB4] =	sst s0;
	s0 =	simm.s32 @!p1 $0x0  }
0x14: {  	s2 =	sld [smem:$0x3F98];
	s0 =	simm.s32 @p1 $0x1  }
0x15: {  	[smem:$0x3FB5] =	sst s0;
	s0 =	simm.s32 @!p2 $0x0  }
0x16: {  	s3 =	sld [smem:$0x3FDB];
	s0 =	simm.s32 @p2 $0x1  }
0x17: {  	s4 =	simm.s32 $0x1BF5;
	[smem:$0x3FB7] =	sst s0  }
0x18: {  	s0 =	sld [smem:$0x3F9A];
	_ =	swait.ge [sflag:s4], $0x0  }
0x19: {  	s7 =	sld [smem:$0x3F9B]  }
0x1a: {  	s8 =	sadd.s32 $0xFFFFE003, lr  }
0x1b: {  	s9 =	sadd.s32 $0xFFFFFEF7, lr;
	s5 =	simm.s32 $0xFFFFFFFF;
	p2 =	slt.u32 s8, $0xFFFFF086  }
0x1c: {  	p1 =	slt.u32 s9, $0xF7A;
	s5 =	simm.s32 @!p2 $0x0  }
0x1d: {  	s5 =	simm.s32 @p1 $0x1;
	p0 =	seq.s32 s7, s2  }
0x1e: {  	s7 =	smul.u32 @!p0 $0xF7A, s2;
	p2 =	seq.s32 @!p0 s5, $0x0  }
0x1f: {  	s9 =	smul.u32 $0xF7A, s1;
	s8 =	simm.s32 @!p0 $0x1BF5;
	p2 =	por !p2, p0  }
0x20: {  	[sflag:s8] =	ssyncset.s32 @!p0 $0xFFFFF086;
	s6 =	sadd.s32 @!p0 s3, s7;
	s7 =	simm.s32 @!p0 $0x108  }
0x21: {  	s3 =	sadd.s32 s3, s9;
	s6 =	sadd.s32 @!p0 $0x88, s6;
	s7 =	simm.s32 @p2 $0x1082  }
0x22: {  	[simem:s7], [sflag:s8] =	dma.local @!p0 [hbm:s6], $0xF7A  }
0x23: {  	s9 =	sor.u32 $0xD0000000, s2;
	s6 =	simm.s32 $0x108;
	_ =	swait.ge @!p0 [sflag:s8], $0x0  }
0x24: {  	s3 =	sadd.s32 $0x88, s3;
	s6 =	simm.s32 @!p1 $0x1082;
	[sflag:s4] =	ssyncset.s32 $0xFFFFF086  }
0x25: {  	[simem:s6], [sflag:s4] =	dma.local [hbm:s3], $0xF7A  }
0x26: {  	[smem:$0x3F9B] =	sst s1;
	(tag) =	ssettag s2;
	_ =	strace s9  }
0x27: {  	s1 =	sld [smem:$0x3FAB]  }
0x28: {  	s2 =	sld [smem:$0x3FAC]  }
0x29: {  	s4 =	sld [smem:$0x3FAE]  }
0x2a: {  	p0 =	seq.s32 s5, $0x0;
	s5 =	sld [smem:$0x3FAF]  }
0x2b: {  	s6 =	sld [smem:$0x3FB0]  }
0x2c: {  	s7 =	sld [smem:$0x3FB1]  }
0x2d: {  	s3 =	simm.s32 $0x108;
	s8 =	sld [smem:$0x3FB2]  }
0x2e: {  	s3 =	simm.s32 @!p0 $0x1082;
	s9 =	sld [smem:$0x3FB3]  }
0x2f: {  	lr =	sadd.s32 s0, s3;
	s0 =	sld [smem:$0x3FAA]  }
0x30: {  	s3 =	sld [smem:$0x3FAD]  }
0x31: {  	[smem:$0x3FB6] =	sst s10  }
0x32: {  	s10 =	sld [smem:$0x3FB4];
	_ =	sdelay $0x3  }
0x33: {  	p0 =	seq.s32 s10, $0x1;
	s10 =	sld [smem:$0x3FB6];
	_ =	sdelay $0x3  }
0x34: {  	[smem:$0x3FB6] =	sst s10  }
0x35: {  	s10 =	sld [smem:$0x3FB5];
	_ =	sdelay $0x3  }
0x36: {  	p1 =	seq.s32 s10, $0x1;
	s10 =	sld [smem:$0x3FB6];
	_ =	sdelay $0x3  }
0x37: {  	[smem:$0x3FB6] =	sst s10  }
0x38: {  	s10 =	sld [smem:$0x3FB7]  }
0x39: {  	_ = 	snop;
	(pc) =	sbr.ind lr, $3  }
0x3a: {  	_ = 	snop  }
0x3b: {  	_ = 	snop  }
0x3c: {  	p2 =	seq.s32 s10, $0x1;
	s10 =	sld [smem:$0x3FB6]  }
0x3d: {  	_ =	shalt  }
0x3e: {  	_ =	shalt  }
0x3f: {  	_ =	shalt  }
0x40: {  	_ =	shalt  }
0x41: {  	_ =	shalt  }
0x42: {  	_ =	shalt  }
0x43: {  	_ =	shalt  }
0x44: {  	_ =	shalt  }
0x45: {  	_ =	shalt  }
0x46: {  	_ =	shalt  }
0x47: {  	_ =	shalt  }
0x48: {  	_ =	shalt  }
0x49: {  	_ =	shalt  }
0x4a: {  	_ =	shalt  }
0x4b: {  	_ =	shalt  }
0x4c: {  	_ =	shalt  }
0x4d: {  	_ =	shalt  }
0x4e: {  	_ =	shalt  }
0x4f: {  	_ =	shalt  }
0x50: {  	_ =	shalt  }
0x51: {  	_ =	shalt  }
0x52: {  	_ =	shalt  }
0x53: {  	_ =	shalt  }
0x54: {  	_ =	shalt  }
0x55: {  	_ =	shalt  }
0x56: {  	_ =	shalt  }
0x57: {  	_ =	shalt  }
0x58: {  	_ =	shalt  }
0x59: {  	_ =	shalt  }
0x5a: {  	_ =	shalt  }
0x5b: {  	_ =	shalt  }
0x5c: {  	_ =	shalt  }
0x5d: {  	_ =	shalt  }
0x5e: {  	_ =	shalt  }
0x5f: {  	_ =	shalt  }
0x60: {  	_ =	shalt  }
0x61: {  	_ =	shalt  }
0x62: {  	_ =	shalt  }
0x63: {  	_ =	shalt  }
0x64: {  	_ =	shalt  }
0x65: {  	_ =	shalt  }
0x66: {  	_ =	shalt  }
0x67: {  	_ =	shalt  }
0x68: {  	_ =	shalt  }
0x69: {  	_ =	shalt  }
0x6a: {  	_ =	shalt  }
0x6b: {  	_ =	shalt  }
0x6c: {  	_ =	shalt  }
0x6d: {  	_ =	shalt  }
0x6e: {  	_ =	shalt  }
0x6f: {  	_ =	shalt  }
0x70: {  	_ =	shalt  }
0x71: {  	_ =	shalt  }
0x72: {  	_ =	shalt  }
0x73: {  	_ =	shalt  }
0x74: {  	_ =	shalt  }
0x75: {  	_ =	shalt  }
0x76: {  	_ =	shalt  }
0x77: {  	_ =	shalt  }
0x78: {  	_ =	shalt  }
0x79: {  	_ =	shalt  }
0x7a: {  	_ =	shalt  }
0x7b: {  	_ =	shalt  }
0x7c: {  	_ =	shalt  }
0x7d: {  	_ =	shalt  }
0x7e: {  	_ =	shalt  }
0x7f: {  	_ =	shalt  }
0x80: {  	_ =	shalt  }
0x81: {  	_ =	shalt  }
0x82: {  	_ =	shalt  }
0x83: {  	_ =	shalt  }
0x84: {  	_ =	shalt  }
0x85: {  	_ =	shalt  }
0x86: {  	_ =	shalt  }
0x87: {  	_ =	shalt  }
.Lfunc_end0:
.L_simem_size_0:
called_computation_lowered:
.L_overlay_start_0:
0x88: {  	s2 =	sld [smem:$0x3FD9]  }
0x89: {  	s3 =	sld [smem:$0x3FFE];
	_ =	sdelay $0x1  }
0x8a: {  	s1 =	srdreg.scid  }
0x8b: {  	s0 =	sand.u32 $0x1, s1  }
0x8c: {  	s17 =	sshll.u32 s0, $0xA;
	s2 =	sadd.s32 s3, s2  }
0x8d: {  	s2 =	sadd.s32 s2, s17  }
0x8e: {  	[smem:$0x3FC2] =	sst s2  }
0x8f: {  	_ = 	snop  }
0x90: {  	s2 =	sld [smem:$0x3FD0];
	(tm) =	ssettm $0x1  }
0x91: {  	s18 =	sld [smem:$0x3FFB];
	_ =	sdelay $0x3  }
0x92: {  	_ =	strace s18  }
0x93: {  	s3 =	sld [smem:$0x3FFC];
	_ =	sdelay $0x3  }
0x94: {  	_ =	strace s3  }
0x95: {  	s3 =	sld [smem:$0x3FFD];
	_ =	sdelay $0x3  }
0x96: {  	_ =	strace s3  }
0x97: {  	_ =	strace $0x8FFFFFFF  }
0x98: {  	s19 =	sld [smem:$0x3FDB];
	_ =	sdelay $0x1  }
0x99: {  	s4 =	simm.s32 $_scs_section_size  }
0x9a: {  	s5 =	simm.s32 $_size__tile_overlayer_lowered;
	s6 =	simm.s32 $_tile_overlayer_lowered  }
0x9b: {  	s22 =	simm.s32 $0x1BFF;
	s21 =	sshll.u32 s6, $0x1;
	s3 =	sadd.s32 s4, s19  }
0x9c: {  	s7 =	simm.s32 $0x0;
	s20 =	sshll.u32 s5, $0x1;
	s5 =	sadd.s32 s21, s3  }
0x9d: {  	[timem:s7], [sflag:s22] =	dma.local [hbm:s5], s20  }
0x9e: {  	_ =	swait.ge [sflag:s22], s20  }
0x9f: {  	s4 =	ssub.s32 $0x0, s20;
	[sflag:s22] =	ssyncset.done $0x0  }
0xa0: {  	[sflag:s22] =	ssyncadd.s32 s4;
	_ =	sdelay $0x1  }
0xa1: {  	s23 =	simm.s32 $0x1B8B  }
0xa2: {  	_ =	swait.ge [sflag:s23], $0x1  }
0xa3: {  	[sflag:s23] =	ssyncset.done $0x0  }
0xa4: {  	s25 =	simm.s32 $0x1B8E;
	s24 =	sld [smem:$0x3FFE];
	[sflag:s23] =	ssyncadd.s32 $0xFFFFFFFF  }
0xa5: {  	s26 =	simm.s32 $execute0_lowered;
	[smem:$0x3FD2] =	sst s25  }
0xa6: {  	s5 =	sshll.u32 s26, $0x1;
	_ =	strace $0x80000046;
	[dreg:$0x1] =	wrdreg $0xFFFFFFFF  }
0xa7: {  	s28 =	simm.s32 $_size_execute0_lowered;
	s3 =	sadd.s32 s3, s5;
	[dreg:$0x0] =	wrdreg $0x0  }
0xa8: {  	s5 =	sshll.u32 s28, $0x1;
	[dreg:$0x2] =	wrdreg s3  }
0xa9: {  	[dreg:$0x3] =	wrdreg s5  }
0xaa: {  	[dreg:$0x4] =	wrdreg $0xC0  }
0xab: {  	_ =	task [dreg:s7], $0x5FFFF  }
0xac: {  	[dreg:$0x1] =	wrdreg $0xFFFFFFFF  }
0xad: {  	[dreg:$0x0] =	wrdreg $0x60  }
0xae: {  	[dreg:$0x2] =	wrdreg s24  }
0xaf: {  	[dreg:$0x3] =	wrdreg s2  }
0xb0: {  	[dreg:$0x4] =	wrdreg $0x31100  }
0xb1: {  	[dreg:$0x5] =	wrdreg $0x9  }
0xb2: {  	_ =	task.clear_ibuf [dreg:s7], $0x6FFFF;
	_ =	strace $0x90000046  }
0xb3: {  	s29 =	simm.s32 $0x9;
	_ =	strace $0x80000048  }
0xb4: {  	_ =	swait.ge [sflag:s29], $0x1  }
0xb5: {  	[sflag:s29] =	ssyncadd.s32 $0xFFFFFFFF  }
0xb6: {  	_ =	strace $0x90000048  }
0xb7: {  	_ =	sfence  }
0xb8: {  	s30 =	sld [smem:$0x0];
	_ =	sdelay $0x2  }
0xb9: {  	s31 =	sshll.u32 s1, $0xD;
	s1 =	sshrl.u32 s1, $0x2  }
0xba: {  	s3 =	sand.u32 $0x4000, s31;
	s1 =	sadd.s32 s1, s30  }
0xbb: {  	s0 =	sor.u32 s3, s0;
	s1 =	sshll.u32 s1, $0x11  }
0xbc: {  	s0 =	sor.u32 s1, s0  }
0xbd: {  	s0 =	sadd.s32 $0x8F2B, s0  }
0xbe: {  	[sflag:s0] =	ssyncadd.remote.s32 $0x1  }
0xbf: {  	_ =	sfence.sel $0xFFFF  }
0xc0: {  	[dreg:$0x0] =	wrdreg $0xFFFFFFFF;
	(pc) =	sbr.abs _section_cstart, $3  }
0xc1: {  	[dreg:$0x1] =	wrdreg $0xFFFFFFFF  }
0xc2: {  	_ =	task.clear_ibuf [dreg:s7], $0x2FFFF;
	_ =	strace $0x9FFFFFFF  }
0xc3: {  	(tm) =	ssettm $0x7FFFFFFF  }
tec
execute0_lowered:
.L_overlay_start_1:
0x0: {  	(tag) =	ssettag $0x1  }
0x1: {  	s5 =	rddreg [dreg:$0x0]  }
0x2: {  	s0 =	srdreg.scid;
	s6 =	rddreg [dreg:$0x1]  }
0x3: {  	s2 =	rddreg [dreg:$0x2];
	s3 =	simm.s32 $0x0;
	s15 =	simm.s32 $0x2C10  }
0x4: {  	s16 =	simm.s32 $0x1;
	s17 =	simm.s32 $0x50;
	s4 =	sand.u32 $0x1, s0  }
0x5: {  	s18 =	simm.s32 $0x2710;
	s0 =	stileid.u32;
	s8 =	smul.u32 $0x28000, s4  }
0x6: {  	[smem:$0x7FF] =	sst s3;
	s1 =	sshll.u32 s4, $0x4;
	s9 =	smul.u32 $0x2800, s0  }
0x7: {  	s4 =	ssub.s32 $0x2, s4;
	s11 =	smul.u32 $0xA000, s0;
	s19 =	sshll.u32 s0, $0x6  }
0x8: {  	s1 =	sor.u32 s0, s1;
	s10 =	sshrl.u32 s4, $0x1;
	s19 =	sor.u32 $0x1C01, s19  }
0x9: {  	s7 =	smul.u32 $0x4E2, s1;
	s1 =	rddreg [dreg:$0x3];
	_ =	strace $0x80000047  }
0xa: {  	s29 =	ssub.s32 s4, s10;
	s8 =	sadd.s32 s9, s8;
	s31 =	sshrl.u32 s11, $0x2  }
0xb: {  	s20 =	sadd.s32 s9, s2;
	s30 =	sshrl.u32 s8, $0x3;
	s5 =	sadd.s32 s7, s5  }
0xc: {  	s4 =	sadd.s32 $0xB800, s5;
	s5 =	sadd.s32 s6, s30;
	s6 =	sadd.s32 s31, s2  }
0xd: {  	s20 =	sshrl.u32 s20, $0x3;
	s7 =	smax.u32 s29, $0x1;
	s8 =	sadd.s32 $0x500, s6  }
0xe: {  	s9 =	sadd.s32 $0xA00, s6;
	s10 =	sadd.s32 $0xF00, s6;
	s11 =	sadd.s32 $0x1400, s6  }
0xf: {  	v0 =	vimm.f32 $1.000000000e+00;
	v1 =	vimm.f32 $0.0e+00;
	s12 =	sadd.s32 $0x1900, s6;
	s13 =	sadd.s32 $0x1E00, s6;
	s14 =	sadd.s32 $0x2300, s6  }
.LBB2_1:
0x10: {  	s21 =	simm.s32 $0x40;
	s22 =	simm.s32 $0x0  }
.LBB2_2:
0x11: {  	p0 =	sne.s32 s21, $0x13C0;
	[tilespmem:s22+$0x2710] =	vst v0;
	s23 =	smov.u32 s21;
	s21 =	sadd.s32 $0x40, s21  }
.Ltmp0:
0x12: {  	[tilespmem:s22+$0x2C10] =	vst v1;
	(pc) =	sbr.rel @p0 .LBB2_2-.Ltmp0, $2  }
0x13: {  	_ =	sdelay $0x2  }
0x14: {  	s22 =	sshra.s32 s23, $0x2  }
0x15: {  	[tilespmem:s22+$0x2710] =	vst v0  }
0x16: {  	[tilespmem:s22+$0x2C10] =	vst v1  }
0x17: {  	[spmem:s6] =	stream.linear.scatter [tilespmem:s15], [sflag:$0x1], $0x500, $0x38;
	[tilespmem:$0x5910] =	vst v63  }
0x18: {  	_ =	swait.ge [sflag:s16], $0x500  }
0x19: {  	[sflag:s16] =	ssyncset.done $0x0  }
0x1a: {  	[sflag:s16] =	ssyncadd.s32 $0xFFFFFB00  }
0x1b: {  	[spmem:s8] =	stream.linear.scatter [tilespmem:s15], [sflag:$0x1], $0x500, $0x38;
	[tilespmem:$0x5910] =	vst v63  }
0x1c: {  	_ =	swait.ge [sflag:s16], $0x500  }
0x1d: {  	[sflag:s16] =	ssyncset.done $0x0  }
0x1e: {  	[sflag:s16] =	ssyncadd.s32 $0xFFFFFB00  }
0x1f: {  	[spmem:s9] =	stream.linear.scatter [tilespmem:s15], [sflag:$0x1], $0x500, $0x38;
	[tilespmem:$0x5910] =	vst v63  }
0x20: {  	_ =	swait.ge [sflag:s16], $0x500  }
0x21: {  	[sflag:s16] =	ssyncset.done $0x0  }
0x22: {  	[sflag:s16] =	ssyncadd.s32 $0xFFFFFB00  }
0x23: {  	[spmem:s10] =	stream.linear.scatter [tilespmem:s15], [sflag:$0x1], $0x500, $0x38;
	[tilespmem:$0x5910] =	vst v63  }
0x24: {  	_ =	swait.ge [sflag:s16], $0x500  }
0x25: {  	[sflag:s16] =	ssyncset.done $0x0  }
0x26: {  	[sflag:s16] =	ssyncadd.s32 $0xFFFFFB00  }
0x27: {  	[spmem:s11] =	stream.linear.scatter [tilespmem:s15], [sflag:$0x1], $0x500, $0x38;
	[tilespmem:$0x5910] =	vst v63  }
0x28: {  	_ =	swait.ge [sflag:s16], $0x500  }
0x29: {  	[sflag:s16] =	ssyncset.done $0x0  }
0x2a: {  	[sflag:s16] =	ssyncadd.s32 $0xFFFFFB00  }
0x2b: {  	[spmem:s12] =	stream.linear.scatter [tilespmem:s15], [sflag:$0x1], $0x500, $0x38;
	[tilespmem:$0x5910] =	vst v63  }
0x2c: {  	_ =	swait.ge [sflag:s16], $0x500  }
0x2d: {  	[sflag:s16] =	ssyncset.done $0x0  }
0x2e: {  	[sflag:s16] =	ssyncadd.s32 $0xFFFFFB00  }
0x2f: {  	[spmem:s13] =	stream.linear.scatter [tilespmem:s15], [sflag:$0x1], $0x500, $0x38;
	[tilespmem:$0x5910] =	vst v63  }
0x30: {  	_ =	swait.ge [sflag:s16], $0x500  }
0x31: {  	[sflag:s16] =	ssyncset.done $0x0  }
0x32: {  	[sflag:s16] =	ssyncadd.s32 $0xFFFFFB00  }
0x33: {  	[spmem:s14] =	stream.linear.scatter [tilespmem:s15], [sflag:$0x1], $0x500, $0x38;
	[tilespmem:$0x5910] =	vst v63  }
0x34: {  	_ =	swait.ge [sflag:s16], $0x500  }
0x35: {  	[sflag:s16] =	ssyncset.done $0x0  }
0x36: {  	s21 =	simm.s32 $0x0;
	[sflag:s16] =	ssyncadd.s32 $0xFFFFFB00  }
0x37: {  	[tilespmem:s21], [sflag:$0x1] =	stream.linear.gather [hbm4b:s4+s21], $0x2710, $0x38;
	[tilespmem:$0x5910] =	vst v63  }
0x38: {  	_ =	swait.ge [sflag:s16], $0x2710  }
0x39: {  	[sflag:s16] =	ssyncset.done $0x0  }
0x3a: {  	[sflag:s16] =	ssyncadd.s32 $0xFFFFD8F0  }
0x3b: {  	s31 =	simm.s32 $0x0;
	[bflag:$0x0] =	sbarrier.arrive $0xFFFF  }
0x3c: {  	[spmem:s2] =	stream.indirect.scatter.add.f32 [tilespmem:s18], [sflag:$0x1], $0x10, s31, s17, $0xb8;
	[tilespmem:$0x5910] =	vst v63  }
0x3d: {  	_ =	swait.ge [sflag:s16], $0x500  }
0x3e: {  	s21 =	simm.s32 $0x140;
	[sflag:s16] =	ssyncset.done $0x0  }
.LBB2_4:
0x3f: {  	s22 =	sshra.s32 s21, $0x2;
	[sflag:s16] =	ssyncadd.s32 $0xFFFFFB00;
	p0 =	sne.s32 s21, $0x9B00  }
0x40: {  	[spmem:s2] =	stream.indirect.scatter.add.f32 [tilespmem:s18], [sflag:$0x1], $0x10, s22, s17, $0xb8;
	[tilespmem:$0x5910] =	vst v63  }
.Ltmp1:
0x41: {  	_ = 	snop;
	(pc) =	sbr.rel @p0 .LBB2_4-.Ltmp1, $4  }
0x42: {  	_ = 	snop  }
0x43: {  	s21 =	sadd.s32 $0x140, s21  }
0x44: {  	_ =	swait.ge [sflag:s16], $0x500  }
0x45: {  	[sflag:s16] =	ssyncset.done $0x0  }
0x46: {  	s3 =	sadd.s32 $0x1, s3  }
0x47: {  	[sflag:s16] =	ssyncadd.s32 $0xFFFFFB00;
	p0 =	sne.s32 s3, s7  }
.Ltmp2:
0x48: {  	[bflag:$0x0] =	sbarrier.arrive $0xFFFF;
	(pc) =	sbr.rel @p0 .LBB2_1-.Ltmp2, $4  }
0x49: {  	[hbm:s5], [sflag:s19] =	dma.local [spmem:s20], $0x500  }
0x4a: {  	_ =	swait.ge [sflag:s16], $0x500  }
0x4b: {  	[sflag:s16] =	ssyncset.done $0x0  }
0x4c: {  	[sflag:s16] =	ssyncadd.s32 $0xFFFFFB00  }
0x4d: {  	_ =	sfence.sel $0x180000  }
0x4e: {  	[bflag:$0x0] =	sbarrier.arrive $0xFFFF  }
0x4f: {  	p0 =	sne.s32 s0, $0x0;
	_ =	strace $0x90000047  }
0x50: {  	s0 =	sadd.s32 @!p0 $0x100000, s1;
	[bflag:$0x2] =	sbarrier.arrive $0xFFFF  }
0x51: {  	[sflag:s0] =	ssyncadd.tile.s32 @!p0 $0x1;
	_ =	shalt  }
.Lfunc_end2:
_tile_overlayer_lowered:
.L_overlay_start_2:
0x52: {  	(tag) =	ssettag $0x2  }
0x53: {  	s0 =	rddreg [dreg:$0x0];
	s2 =	stileid.u32  }
0x54: {  	s1 =	rddreg [dreg:$0x1];
	p0 =	sne.s32 s2, $0x0  }
0x55: {  	s3 =	rddreg [dreg:$0x2];
	[bflag:$0x3] =	sbarrier.arrive $0xFFFF;
	s2 =	simm.s32 @!p0 $0x1C01  }
0x56: {  	[timem:s3], [sflag:s2] =	dma.local @!p0 [hbm:s0], s1  }
0x57: {  	s0 =	simm.s32 @!p0 $0x1  }
0x58: {  	_ =	swait.ge @!p0 [sflag:s0], s1  }
0x59: {  	s1 =	ssub.s32 @!p0 $0x0, s1;
	[sflag:s0] =	ssyncset.done @!p0 $0x0  }
0x5a: {  	[sflag:s0] =	ssyncadd.s32 @!p0 s1  }
0x5b: {  	[bflag:$0x3] =	sbarrier.arrive $0xFFFF  }
0x5c: {  	_ =	shalt  }

</sc_bundles>
